<compile_context>
chip_gen: v7x
topology: tpu7x:2x2x1
jax: 0.10.2.dev20260603
libtpu: 0.0.44.dev20260713+nightly
codegen_flags: <defaults>
</compile_context>

<pallas_src>
import jax
import jax.numpy as jnp
from jax import lax
from jax.experimental import pallas as pl
from jax.experimental.pallas import tpu as pltpu
from jax.experimental.pallas import tpu_sc as plsc

_T, _B, _K = 512, 16, 64
_NC = 2
_L = 16

_GDN = lax.GatherDimensionNumbers(
    offset_dims=(), collapsed_slice_dims=(0,), start_index_map=(0,))


def _gather16(x, idx):
    return lax.gather(x, idx[:, None], _GDN, (1,),
                      mode=lax.GatherScatterMode.PROMISE_IN_BOUNDS)


def _shr(x, s, fill):
    iota = lax.iota(jnp.int32, _L)
    return jnp.where(iota >= s, _gather16(x, jnp.maximum(iota - s, 0)), fill)


def _splat(x, i):
    return _gather16(x, jnp.full((_L,), i, jnp.int32))


def _sc_numer_body(tagsT, qT, emT, sTf, oTf, stv, etv, out,
                   tags_v, q_v, em0_v, em1_v, sT_v, oT_v, st_v, et_v, acc_v):
    b = lax.axis_index("s") * _NC + lax.axis_index("c")

    @pl.when(b < _B)
    def _():
        pltpu.sync_copy(tagsT.at[b], tags_v)
        pltpu.sync_copy(qT.at[b], q_v)
        pltpu.sync_copy(emT.at[b, 0], em0_v)
        pltpu.sync_copy(emT.at[b, 1], em1_v)
        pltpu.sync_copy(sTf, sT_v)
        pltpu.sync_copy(oTf, oT_v)
        pltpu.sync_copy(stv, st_v)
        pltpu.sync_copy(etv, et_v)

        iota = lax.iota(jnp.int32, _L)
        zi = jnp.zeros((_L,), jnp.int32)
        half = _T * _K // 2

        t0chunk = tags_v[pl.ds(0, _L)]
        q0chunk = q_v[pl.ds(0, _L)]
        init = (zi, zi, zi, zi,
                _splat(q0chunk, 0), _splat(t0chunk, 0),
                jnp.zeros((_L,), jnp.float32))

        def chunk(c, carry):
            c0v, c0f, c1v, c1f, qlast, tlast, acc = carry
            t16 = tags_v[pl.ds(c * _L, _L)]
            q16 = q_v[pl.ds(c * _L, _L)]
            f0 = jnp.where(q16 == 0, 1, 0)
            f1 = 1 - f0
            v0 = t16
            v1 = t16
            for s in (1, 2, 4, 8):
                nv0 = jnp.where(f0 == 1, v0, _shr(v0, s, zi))
                nf0 = jnp.maximum(f0, _shr(f0, s, zi))
                nv1 = jnp.where(f1 == 1, v1, _shr(v1, s, zi))
                nf1 = jnp.maximum(f1, _shr(f1, s, zi))
                v0, f0, v1, f1 = nv0, nf0, nv1, nf1
            e0v = _shr(v0, 1, c0v)
            e0f = jnp.maximum(_shr(f0, 1, zi), c0f)
            e0v = jnp.where(_shr(f0, 1, zi) == 1, e0v, c0v)
            e1v = _shr(v1, 1, c1v)
            e1f = jnp.maximum(_shr(f1, 1, zi), c1f)
            e1v = jnp.where(_shr(f1, 1, zi) == 1, e1v, c1v)
            prev_same = jnp.where(q16 == 0, e0v, e1v)
            inert = jnp.where(q16 == 0, e0f, e1f).astype(jnp.float32)
            qprev = _shr(q16, 1, qlast)
            ptags = _shr(t16, 1, tlast)
            cont = jnp.where(q16 != qprev, 1.0, 0.0)
            self_g = plsc.load_gather(sT_v, [prev_same * _K + t16])
            oth_g = plsc.load_gather(oT_v, [ptags * _K + t16])
            emidx = (c * _L + iota) * _K + t16
            em_g = jnp.where(
                emidx < half,
                plsc.load_gather(em0_v, [jnp.minimum(emidx, half - 1)]),
                plsc.load_gather(em1_v, [jnp.maximum(emidx - half, 0)]))
            acc = acc + self_g * inert + oth_g * cont + em_g
            n0f = _splat(f0, _L - 1)
            n1f = _splat(f1, _L - 1)
            c0v = jnp.where(n0f == 1, _splat(v0, _L - 1), c0v)
            c0f = jnp.maximum(c0f, n0f)
            c1v = jnp.where(n1f == 1, _splat(v1, _L - 1), c1v)
            c1f = jnp.maximum(c1f, n1f)
            return (c0v, c0f, c1v, c1f,
                    _splat(q16, _L - 1), _splat(t16, _L - 1), acc)

        carry = lax.fori_loop(0, _T // _L, chunk, init)
        acc = carry[6]
        tags0 = _splat(t0chunk, 0)
        tagsl = _splat(tags_v[pl.ds(_T - _L, _L)], _L - 1)
        st_g = plsc.load_gather(st_v, [tags0])
        et_g = plsc.load_gather(et_v, [tagsl])
        acc = acc + jnp.where(iota == 0, st_g + et_g, 0.0)
        acc_v[...] = acc
        pltpu.sync_copy(acc_v, out.at[b])


def _sc_numer(tagsT, qT, emT3, sTf, oTf, stv, etv):
    mesh = plsc.VectorSubcoreMesh(core_axis_name="c", subcore_axis_name="s",
                                  num_cores=_NC)
    fn = pl.kernel(
        _sc_numer_body, mesh=mesh,
        compiler_params=pltpu.CompilerParams(needs_layout_passes=False,
                                             skip_device_barrier=True),
        out_type=jax.ShapeDtypeStruct((_B, _L), jnp.float32),
        scratch_types=[
            pltpu.VMEM((_T,), jnp.int32),
            pltpu.VMEM((_T,), jnp.int32),
            pltpu.VMEM((_T * _K // 2,), jnp.float32),
            pltpu.VMEM((_T * _K // 2,), jnp.float32),
            pltpu.VMEM((_K * _K,), jnp.float32),
            pltpu.VMEM((_K * _K,), jnp.float32),
            pltpu.VMEM((_K,), jnp.float32),
            pltpu.VMEM((_K,), jnp.float32),
            pltpu.VMEM((_L,), jnp.float32),
        ])
    return fn(tagsT, qT, emT3, sTf, oTf, stv, etv)


def _crf_body(em_ref, tags_ref, q_ref, st_ref, et_ref, sT_ref, oT_ref,
              sTt_ref, oTt_ref, out_ref, w_ref, wb_ref):
    T, Bn, K = _T, _B, _K
    f32 = jnp.float32
    tags = tags_ref[:]
    q = q_ref[:]

    def last_valid(v0, f0):
        v, f = v0, f0
        s = 1
        while s < T:
            sv = jnp.concatenate([jnp.zeros((s, Bn), jnp.int32), v[:-s]], axis=0)
            sf = jnp.concatenate([jnp.zeros((s, Bn), jnp.int32), f[:-s]], axis=0)
            v = jnp.where(f == 1, v, sv)
            f = jnp.maximum(f, sf)
            s *= 2
        return v, f

    q0 = (q == 0)
    q0i = jnp.where(q0, 1, 0)
    _, l0f = last_valid(tags, q0i)
    _, l1f = last_valid(tags, 1 - q0i)

    def bcast3(x):
        return jnp.broadcast_to(x[:, :, None], (T, Bn, K))

    def shift1(x3):
        return jnp.concatenate([jnp.zeros((1, Bn, K), x3.dtype), x3[:-1]],
                               axis=0)

    q3 = bcast3(q)
    l0f3 = bcast3(l0f.astype(f32))
    l1f3 = bcast3(l1f.astype(f32))
    q03 = (q3 == 0)
    inert3 = jnp.where(q03, shift1(l0f3), shift1(l1f3))
    qprev3 = jnp.concatenate([q3[:1], q3[:-1]], axis=0)
    cont3 = jnp.where(q3 != qprev3, 1.0, 0.0)

    em = em_ref[:]

    w_self3 = inert3 * (1.0 - cont3)
    w_oth3 = cont3 * (1.0 - inert3)
    w_both3 = inert3 * cont3
    expem = jnp.exp(em)
    xemprev = jnp.concatenate([expem[:1], expem[:-1]], axis=0)
    HF = 264
    w_ref[0:HF] = jnp.concatenate([
        w_self3[0:HF] * xemprev[0:HF],
        w_oth3[0:HF] * xemprev[0:HF],
        w_both3[0:HF] * xemprev[0:HF],
    ], axis=2).astype(jnp.bfloat16)
    HB = 256
    wb_ref[HB:T] = jnp.concatenate([
        w_self3[HB:T] * expem[HB:T],
        w_oth3[HB:T] * expem[HB:T],
        w_both3[HB:T] * expem[HB:T],
    ], axis=2).astype(jnp.bfloat16)

    e_s = jnp.exp(sT_ref[:])
    e_o = jnp.exp(oT_ref[:])
    e_b = jnp.exp(sT_ref[:] + oT_ref[:])
    SCL = 0.03125
    ecat3 = (SCL * jnp.concatenate([
        jnp.concatenate([e_s, e_s, e_s], axis=1),
        jnp.concatenate([e_o, e_o, e_o], axis=1),
        jnp.concatenate([e_b, e_b, e_b], axis=1),
    ], axis=0)).astype(jnp.bfloat16)
    e_st = jnp.exp(sTt_ref[:])
    e_ot = jnp.exp(oTt_ref[:])
    e_bt = jnp.exp(sTt_ref[:] + oTt_ref[:])
    ecat3t = (SCL * jnp.concatenate([
        jnp.concatenate([e_st, e_st, e_st], axis=1),
        jnp.concatenate([e_ot, e_ot, e_ot], axis=1),
        jnp.concatenate([e_bt, e_bt, e_bt], axis=1),
    ], axis=0)).astype(jnp.bfloat16)

    es0 = jnp.exp(st_ref[:])
    s0 = jnp.broadcast_to(
        jnp.concatenate([es0, es0, es0], axis=1), (Bn, 3 * K))
    ee0 = jnp.exp(et_ref[:])
    r0 = jnp.broadcast_to(
        jnp.concatenate([ee0, ee0, ee0], axis=1), (Bn, 3 * K))
    lz0 = jnp.zeros((Bn, 1), f32)

    def stepf(t, s):
        win_t = w_ref[pl.ds(t, 1)].reshape(Bn, 3 * K)
        return jnp.dot(s.astype(jnp.bfloat16) * win_t, ecat3,
                       preferred_element_type=f32)

    def stepb(t, r):
        win_t = wb_ref[pl.ds(t, 1)].reshape(Bn, 3 * K)
        return jnp.dot(r.astype(jnp.bfloat16) * win_t, ecat3t,
                       preferred_element_type=f32)

    def renorm(s, logz):
        m = jnp.max(s, axis=1, keepdims=True)
        return s / m, logz + jnp.log(m)

    def body(g, carry):
        s, r, lzf, lzb = carry
        tf0 = 16 * g + 1
        tb0 = T - 1 - 16 * g
        for dt in range(16):
            s = stepf(tf0 + dt, s)
            r = stepb(tb0 - dt, r)
        s, lzf = renorm(s, lzf)
        r, lzb = renorm(r, lzb)
        return s, r, lzf, lzb

    s, r, lzf, lzb = jax.lax.fori_loop(0, 15, body, (s0, r0, lz0, lz0))
    for t in range(241, 257):
        s = stepf(t, s)
    for t in range(271, 256, -1):
        r = stepb(t, r)
    s, lzf = renorm(s, lzf)
    r, lzb = renorm(r, lzb)
    zmid = jnp.sum(s[:, :K] * expem[256] * r[:, :K], axis=1, keepdims=True)
    denom = (jnp.sum(lzf) + jnp.sum(lzb) + jnp.sum(jnp.log(zmid))
             + Bn * 511 * 5 * 0.6931471805599453)
    out_ref[:, :] = jnp.broadcast_to(denom, (1, 1))


def kernel(emissions, tags, qmask, mask, start_transitions, end_transitions,
           self_transitions, other_transitions):
    del mask
    T, Bn, K = emissions.shape
    tags = tags.astype(jnp.int32)
    qmask = qmask.astype(jnp.int32)
    numer16 = _sc_numer(
        tags.T.reshape(Bn, T), qmask.T.reshape(Bn, T),
        emissions.transpose(1, 0, 2).reshape(Bn, 2, T * K // 2),
        self_transitions.reshape(K * K), other_transitions.reshape(K * K),
        start_transitions, end_transitions)
    denom = pl.pallas_call(
        _crf_body,
        out_shape=jax.ShapeDtypeStruct((1, 1), jnp.float32),
        scratch_shapes=[pltpu.VMEM((T, Bn, 3 * K), jnp.bfloat16),
                        pltpu.VMEM((T, Bn, 3 * K), jnp.bfloat16)],
    )(emissions, tags, qmask,
      start_transitions.reshape(1, K), end_transitions.reshape(1, K),
      self_transitions, other_transitions,
      self_transitions.T, other_transitions.T)
    return jnp.sum(numer16) - denom[0, 0]

# --- scband reference (transcript-rebuilt; emitter-appended) ---
"""Pipeline reference for scband-crf-1786706395822 (READ-ONLY COPY).

The authoritative reference and input builder live on the scoring server;
editing this copy changes nothing except your own understanding.
"""

import jax, jax.numpy as jnp
import numpy as np

T, B, K = 512, 16, 64


def _make_convid(qmask):
    # conv_id[i,b] = 1 + index of the most recent previous position with the
    # same speaker (qmask value); 0 if no previous same-speaker position.
    Tn, Bn = qmask.shape
    last0 = -jnp.ones((Bn, 2), dtype=jnp.int32)

    def step(last, inp):
        i, q = inp
        cid = jnp.take_along_axis(last, q[:, None], axis=1)[:, 0] + 1
        new_last = last.at[jnp.arange(Bn), q].set(i)
        return new_last, cid

    _, conv_id = jax.lax.scan(step, last0, (jnp.arange(Tn, dtype=jnp.int32), qmask))
    return conv_id  # [T, B] int32


def setup_inputs(seed: int = 0) -> dict:
    key = jax.random.key(seed)
    ks = jax.random.split(key, 8)
    emissions = jax.random.normal(ks[0], (T, B, K), dtype=jnp.float32)
    tags = jax.random.randint(ks[1], (T, B), 0, K)
    qmask = jax.random.randint(ks[2], (T, B), 0, 2)
    mask = jnp.ones((T, B), dtype=bool)
    start_transitions = jax.random.uniform(ks[3], (K,), minval=-0.1, maxval=0.1, dtype=jnp.float32)
    end_transitions = jax.random.uniform(ks[4], (K,), minval=-0.1, maxval=0.1, dtype=jnp.float32)
    self_transitions = jax.random.uniform(ks[5], (K, K), minval=-0.1, maxval=0.1, dtype=jnp.float32)
    other_transitions = jax.random.uniform(ks[6], (K, K), minval=-0.1, maxval=0.1, dtype=jnp.float32)
    return {
        'emissions': emissions, 'tags': tags, 'qmask': qmask, 'mask': mask,
        'start_transitions': start_transitions, 'end_transitions': end_transitions,
        'self_transitions': self_transitions, 'other_transitions': other_transitions,
    }


def reference(emissions, tags, qmask, mask, start_transitions, end_transitions,
              self_transitions, other_transitions):
    Tn, Bn, Kn = emissions.shape
    conv_id = _make_convid(qmask)
    seq_range = jnp.arange(Tn)[:, None]
    conv_inertia = (conv_id > 0)
    conv_contagion = (conv_id != seq_range)
    maskf = mask.astype(emissions.dtype)
    br = jnp.arange(Bn)

    # ----- numerator: gold path score -----
    score0 = start_transitions[tags[0]] + emissions[0, br, tags[0]]
    cidx = jnp.clip(conv_id - 1, 0, Tn - 1)
    prev_same = jnp.take_along_axis(tags, cidx.astype(tags.dtype), axis=0)  # [T,B]
    self_sc = self_transitions[prev_same, tags]
    prev_tags = jnp.concatenate([tags[:1], tags[:-1]], axis=0)
    other_sc = other_transitions[prev_tags, tags]
    emit_sc = jnp.take_along_axis(emissions, tags[:, :, None], axis=2)[:, :, 0]
    inert_f = conv_inertia.astype(emissions.dtype)
    cont_f = conv_contagion.astype(emissions.dtype)
    step_sc = (self_sc * inert_f + other_sc * cont_f + emit_sc) * maskf
    numerator = score0 + jnp.sum(step_sc[1:], axis=0)
    seq_ends = mask.astype(jnp.int32).sum(axis=0) - 1
    last_tags = jnp.take_along_axis(tags, seq_ends[None, :].astype(tags.dtype), axis=0)[0]
    numerator = numerator + end_transitions[last_tags]

    # ----- denominator: forward-algorithm log partition -----
    def fstep(alpha, inp):
        em_i, inert_i, cont_i, m_i = inp
        trans = self_transitions[None] * inert_i[:, None, None] + \
                other_transitions[None] * cont_i[:, None, None]
        nxt = jax.nn.logsumexp(alpha[:, :, None] + trans + em_i[:, None, :], axis=1)
        alpha = jnp.where(m_i[:, None], nxt, alpha)
        return alpha, None

    alpha0 = start_transitions[None, :] + emissions[0]
    alpha, _ = jax.lax.scan(fstep, alpha0, (emissions[1:], inert_f[1:], cont_f[1:], mask[1:]))
    denominator = jax.nn.logsumexp(alpha + end_transitions[None, :], axis=1)

    llh = numerator - denominator
    return llh.sum()  # reduction='sum'

if __name__ == "__main__":
    import jax
    _d = setup_inputs()
    print(jax.jit(kernel)(*tuple(_d.values())))

</pallas_src>

<mosaic_0001>
#map = affine_map<(d0, d1) -> (0, 0)>
#map1 = affine_map<(d0, d1) -> (0, 0, 0)>
#map2 = affine_map<(d0, d1) -> (0)>
module attributes {stable_mosaic.version = 14 : i64} {
  func.func @_sc_numer_body(%arg0: i32, %arg1: i32, %arg2: memref<16x512xi32, #tpu.memory_space<hbm>>, %arg3: memref<16x512xi32, #tpu.memory_space<hbm>>, %arg4: memref<16x2x16384xf32, #tpu.memory_space<hbm>>, %arg5: memref<4096xf32, #tpu.memory_space<hbm>>, %arg6: memref<4096xf32, #tpu.memory_space<hbm>>, %arg7: memref<64xf32, #tpu.memory_space<hbm>>, %arg8: memref<64xf32, #tpu.memory_space<hbm>>, %arg9: memref<16x16xf32, #tpu.memory_space<hbm>>, %arg10: memref<512xi32, #tpu.memory_space<vmem>>, %arg11: memref<512xi32, #tpu.memory_space<vmem>>, %arg12: memref<16384xf32, #tpu.memory_space<vmem>>, %arg13: memref<16384xf32, #tpu.memory_space<vmem>>, %arg14: memref<4096xf32, #tpu.memory_space<vmem>>, %arg15: memref<4096xf32, #tpu.memory_space<vmem>>, %arg16: memref<64xf32, #tpu.memory_space<vmem>>, %arg17: memref<64xf32, #tpu.memory_space<vmem>>, %arg18: memref<16xf32, #tpu.memory_space<vmem>>) attributes {dimension_semantics = [#tpu.dimension_semantics<core_parallel>, #tpu.dimension_semantics<subcore_parallel>], iteration_bounds = array<i64: 2, 16>, scalar_prefetch = 0 : i64, scratch_operands = 9 : i64, tpu.core_type = #tpu.core_type<sc_vector_subcore>, window_params = [{transform_indices = #map}, {transform_indices = #map}, {transform_indices = #map1}, {transform_indices = #map2}, {transform_indices = #map2}, {transform_indices = #map2}, {transform_indices = #map2}, {transform_indices = #map}]} {
    %mul3A = arith.constant 2 : i32
    %mul3A_0 = arith.muli %arg1, %mul3A : i32
    %add3A = arith.addi %mul3A_0, %arg0 : i32
    %lt3A = arith.constant 16 : i32
    %lt3A_1 = arith.cmpi slt, %add3A, %lt3A : i32
    %convert_element_type3A = arith.extui %lt3A_1 : i1 to i32
    %cond3A = arith.constant 0 : i32
    %cond3A_2 = arith.cmpi ne, %convert_element_type3A, %cond3A : i32
    scf.if %cond3A_2 {
      "tpu.region"() ({
        %run_scoped3A_44 = tpu.sem_alloc : memref<!tpu.dma_semaphore, #tpu.memory_space<semaphore_mem>>
        %dma_start3A = arith.constant 0 : i32
        %dma_start3A_45 = tpu.memref_slice %arg2[%add3A, %dma_start3A] : memref<16x512xi32, #tpu.memory_space<hbm>> -> memref<1x512xi32, #tpu.memory_space<hbm>>
        %dma_start3A_46 = tpu.memref_squeeze %dma_start3A_45 : memref<1x512xi32, #tpu.memory_space<hbm>> -> memref<512xi32, #tpu.memory_space<hbm>>
        %dma_start3A_47 = arith.constant 0 : i32
        %dma_start3A_48 = tpu.memref_slice %arg2[%add3A, %dma_start3A_47] : memref<16x512xi32, #tpu.memory_space<hbm>> -> memref<1x512xi32, #tpu.memory_space<hbm>>
        %dma_start3A_49 = tpu.memref_squeeze %dma_start3A_48 : memref<1x512xi32, #tpu.memory_space<hbm>> -> memref<512xi32, #tpu.memory_space<hbm>>
        tpu.enqueue_dma source(%dma_start3A_49 : memref<512xi32, #tpu.memory_space<hbm>>) target(%arg10 : memref<512xi32, #tpu.memory_space<vmem>>) target_semaphore(%run_scoped3A_44 : memref<!tpu.dma_semaphore, #tpu.memory_space<semaphore_mem>>)
        %dma_wait3A = arith.constant 0 : i32
        %dma_wait3A_50 = tpu.memref_slice %arg2[%add3A, %dma_wait3A] : memref<16x512xi32, #tpu.memory_space<hbm>> -> memref<1x512xi32, #tpu.memory_space<hbm>>
        %dma_wait3A_51 = tpu.memref_squeeze %dma_wait3A_50 : memref<1x512xi32, #tpu.memory_space<hbm>> -> memref<512xi32, #tpu.memory_space<hbm>>
        %dma_wait3A_52 = arith.constant 0 : i32
        %dma_wait3A_53 = tpu.memref_slice %arg2[%add3A, %dma_wait3A_52] : memref<16x512xi32, #tpu.memory_space<hbm>> -> memref<1x512xi32, #tpu.memory_space<hbm>>
        %dma_wait3A_54 = tpu.memref_squeeze %dma_wait3A_53 : memref<1x512xi32, #tpu.memory_space<hbm>> -> memref<512xi32, #tpu.memory_space<hbm>>
        tpu.wait_dma2 semaphore(%run_scoped3A_44 : memref<!tpu.dma_semaphore, #tpu.memory_space<semaphore_mem>>) src(%dma_wait3A_54 : memref<512xi32, #tpu.memory_space<hbm>>) dst(%arg10 : memref<512xi32, #tpu.memory_space<vmem>>)
        tpu.yield
      }) : () -> ()
      "tpu.region"() ({
        %run_scoped3A_44 = tpu.sem_alloc : memref<!tpu.dma_semaphore, #tpu.memory_space<semaphore_mem>>
        %dma_start3A = arith.constant 0 : i32
        %dma_start3A_45 = tpu.memref_slice %arg3[%add3A, %dma_start3A] : memref<16x512xi32, #tpu.memory_space<hbm>> -> memref<1x512xi32, #tpu.memory_space<hbm>>
        %dma_start3A_46 = tpu.memref_squeeze %dma_start3A_45 : memref<1x512xi32, #tpu.memory_space<hbm>> -> memref<512xi32, #tpu.memory_space<hbm>>
        %dma_start3A_47 = arith.constant 0 : i32
        %dma_start3A_48 = tpu.memref_slice %arg3[%add3A, %dma_start3A_47] : memref<16x512xi32, #tpu.memory_space<hbm>> -> memref<1x512xi32, #tpu.memory_space<hbm>>
        %dma_start3A_49 = tpu.memref_squeeze %dma_start3A_48 : memref<1x512xi32, #tpu.memory_space<hbm>> -> memref<512xi32, #tpu.memory_space<hbm>>
        tpu.enqueue_dma source(%dma_start3A_49 : memref<512xi32, #tpu.memory_space<hbm>>) target(%arg11 : memref<512xi32, #tpu.memory_space<vmem>>) target_semaphore(%run_scoped3A_44 : memref<!tpu.dma_semaphore, #tpu.memory_space<semaphore_mem>>)
        %dma_wait3A = arith.constant 0 : i32
        %dma_wait3A_50 = tpu.memref_slice %arg3[%add3A, %dma_wait3A] : memref<16x512xi32, #tpu.memory_space<hbm>> -> memref<1x512xi32, #tpu.memory_space<hbm>>
        %dma_wait3A_51 = tpu.memref_squeeze %dma_wait3A_50 : memref<1x512xi32, #tpu.memory_space<hbm>> -> memref<512xi32, #tpu.memory_space<hbm>>
        %dma_wait3A_52 = arith.constant 0 : i32
        %dma_wait3A_53 = tpu.memref_slice %arg3[%add3A, %dma_wait3A_52] : memref<16x512xi32, #tpu.memory_space<hbm>> -> memref<1x512xi32, #tpu.memory_space<hbm>>
        %dma_wait3A_54 = tpu.memref_squeeze %dma_wait3A_53 : memref<1x512xi32, #tpu.memory_space<hbm>> -> memref<512xi32, #tpu.memory_space<hbm>>
        tpu.wait_dma2 semaphore(%run_scoped3A_44 : memref<!tpu.dma_semaphore, #tpu.memory_space<semaphore_mem>>) src(%dma_wait3A_54 : memref<512xi32, #tpu.memory_space<hbm>>) dst(%arg11 : memref<512xi32, #tpu.memory_space<vmem>>)
        tpu.yield
      }) : () -> ()
      %run_scoped3A = arith.constant 0 : i32
      "tpu.region"() ({
        %run_scoped3A_44 = tpu.sem_alloc : memref<!tpu.dma_semaphore, #tpu.memory_space<semaphore_mem>>
        %dma_start3A = arith.constant 0 : i32
        %dma_start3A_45 = tpu.memref_slice %arg4[%add3A, %run_scoped3A, %dma_start3A] : memref<16x2x16384xf32, #tpu.memory_space<hbm>> -> memref<1x1x16384xf32, #tpu.memory_space<hbm>>
        %dma_start3A_46 = tpu.memref_squeeze %dma_start3A_45 : memref<1x1x16384xf32, #tpu.memory_space<hbm>> -> memref<16384xf32, #tpu.memory_space<hbm>>
        %dma_start3A_47 = arith.constant 0 : i32
        %dma_start3A_48 = tpu.memref_slice %arg4[%add3A, %run_scoped3A, %dma_start3A_47] : memref<16x2x16384xf32, #tpu.memory_space<hbm>> -> memref<1x1x16384xf32, #tpu.memory_space<hbm>>
        %dma_start3A_49 = tpu.memref_squeeze %dma_start3A_48 : memref<1x1x16384xf32, #tpu.memory_space<hbm>> -> memref<16384xf32, #tpu.memory_space<hbm>>
        tpu.enqueue_dma source(%dma_start3A_49 : memref<16384xf32, #tpu.memory_space<hbm>>) target(%arg12 : memref<16384xf32, #tpu.memory_space<vmem>>) target_semaphore(%run_scoped3A_44 : memref<!tpu.dma_semaphore, #tpu.memory_space<semaphore_mem>>)
        %dma_wait3A = arith.constant 0 : i32
        %dma_wait3A_50 = tpu.memref_slice %arg4[%add3A, %run_scoped3A, %dma_wait3A] : memref<16x2x16384xf32, #tpu.memory_space<hbm>> -> memref<1x1x16384xf32, #tpu.memory_space<hbm>>
        %dma_wait3A_51 = tpu.memref_squeeze %dma_wait3A_50 : memref<1x1x16384xf32, #tpu.memory_space<hbm>> -> memref<16384xf32, #tpu.memory_space<hbm>>
        %dma_wait3A_52 = arith.constant 0 : i32
        %dma_wait3A_53 = tpu.memref_slice %arg4[%add3A, %run_scoped3A, %dma_wait3A_52] : memref<16x2x16384xf32, #tpu.memory_space<hbm>> -> memref<1x1x16384xf32, #tpu.memory_space<hbm>>
        %dma_wait3A_54 = tpu.memref_squeeze %dma_wait3A_53 : memref<1x1x16384xf32, #tpu.memory_space<hbm>> -> memref<16384xf32, #tpu.memory_space<hbm>>
        tpu.wait_dma2 semaphore(%run_scoped3A_44 : memref<!tpu.dma_semaphore, #tpu.memory_space<semaphore_mem>>) src(%dma_wait3A_54 : memref<16384xf32, #tpu.memory_space<hbm>>) dst(%arg12 : memref<16384xf32, #tpu.memory_space<vmem>>)
        tpu.yield
      }) : () -> ()
      %run_scoped3A_3 = arith.constant 1 : i32
      "tpu.region"() ({
        %run_scoped3A_44 = tpu.sem_alloc : memref<!tpu.dma_semaphore, #tpu.memory_space<semaphore_mem>>
        %dma_start3A = arith.constant 0 : i32
        %dma_start3A_45 = tpu.memref_slice %arg4[%add3A, %run_scoped3A_3, %dma_start3A] : memref<16x2x16384xf32, #tpu.memory_space<hbm>> -> memref<1x1x16384xf32, #tpu.memory_space<hbm>>
        %dma_start3A_46 = tpu.memref_squeeze %dma_start3A_45 : memref<1x1x16384xf32, #tpu.memory_space<hbm>> -> memref<16384xf32, #tpu.memory_space<hbm>>
        %dma_start3A_47 = arith.constant 0 : i32
        %dma_start3A_48 = tpu.memref_slice %arg4[%add3A, %run_scoped3A_3, %dma_start3A_47] : memref<16x2x16384xf32, #tpu.memory_space<hbm>> -> memref<1x1x16384xf32, #tpu.memory_space<hbm>>
        %dma_start3A_49 = tpu.memref_squeeze %dma_start3A_48 : memref<1x1x16384xf32, #tpu.memory_space<hbm>> -> memref<16384xf32, #tpu.memory_space<hbm>>
        tpu.enqueue_dma source(%dma_start3A_49 : memref<16384xf32, #tpu.memory_space<hbm>>) target(%arg13 : memref<16384xf32, #tpu.memory_space<vmem>>) target_semaphore(%run_scoped3A_44 : memref<!tpu.dma_semaphore, #tpu.memory_space<semaphore_mem>>)
        %dma_wait3A = arith.constant 0 : i32
        %dma_wait3A_50 = tpu.memref_slice %arg4[%add3A, %run_scoped3A_3, %dma_wait3A] : memref<16x2x16384xf32, #tpu.memory_space<hbm>> -> memref<1x1x16384xf32, #tpu.memory_space<hbm>>
        %dma_wait3A_51 = tpu.memref_squeeze %dma_wait3A_50 : memref<1x1x16384xf32, #tpu.memory_space<hbm>> -> memref<16384xf32, #tpu.memory_space<hbm>>
        %dma_wait3A_52 = arith.constant 0 : i32
        %dma_wait3A_53 = tpu.memref_slice %arg4[%add3A, %run_scoped3A_3, %dma_wait3A_52] : memref<16x2x16384xf32, #tpu.memory_space<hbm>> -> memref<1x1x16384xf32, #tpu.memory_space<hbm>>
        %dma_wait3A_54 = tpu.memref_squeeze %dma_wait3A_53 : memref<1x1x16384xf32, #tpu.memory_space<hbm>> -> memref<16384xf32, #tpu.memory_space<hbm>>
        tpu.wait_dma2 semaphore(%run_scoped3A_44 : memref<!tpu.dma_semaphore, #tpu.memory_space<semaphore_mem>>) src(%dma_wait3A_54 : memref<16384xf32, #tpu.memory_space<hbm>>) dst(%arg13 : memref<16384xf32, #tpu.memory_space<vmem>>)
        tpu.yield
      }) : () -> ()
      "tpu.region"() ({
        %run_scoped3A_44 = tpu.sem_alloc : memref<!tpu.dma_semaphore, #tpu.memory_space<semaphore_mem>>
        tpu.enqueue_dma source(%arg5 : memref<4096xf32, #tpu.memory_space<hbm>>) target(%arg14 : memref<4096xf32, #tpu.memory_space<vmem>>) target_semaphore(%run_scoped3A_44 : memref<!tpu.dma_semaphore, #tpu.memory_space<semaphore_mem>>)
        tpu.wait_dma2 semaphore(%run_scoped3A_44 : memref<!tpu.dma_semaphore, #tpu.memory_space<semaphore_mem>>) src(%arg5 : memref<4096xf32, #tpu.memory_space<hbm>>) dst(%arg14 : memref<4096xf32, #tpu.memory_space<vmem>>)
        tpu.yield
      }) : () -> ()
      "tpu.region"() ({
        %run_scoped3A_44 = tpu.sem_alloc : memref<!tpu.dma_semaphore, #tpu.memory_space<semaphore_mem>>
        tpu.enqueue_dma source(%arg6 : memref<4096xf32, #tpu.memory_space<hbm>>) target(%arg15 : memref<4096xf32, #tpu.memory_space<vmem>>) target_semaphore(%run_scoped3A_44 : memref<!tpu.dma_semaphore, #tpu.memory_space<semaphore_mem>>)
        tpu.wait_dma2 semaphore(%run_scoped3A_44 : memref<!tpu.dma_semaphore, #tpu.memory_space<semaphore_mem>>) src(%arg6 : memref<4096xf32, #tpu.memory_space<hbm>>) dst(%arg15 : memref<4096xf32, #tpu.memory_space<vmem>>)
        tpu.yield
      }) : () -> ()
      "tpu.region"() ({
        %run_scoped3A_44 = tpu.sem_alloc : memref<!tpu.dma_semaphore, #tpu.memory_space<semaphore_mem>>
        tpu.enqueue_dma source(%arg7 : memref<64xf32, #tpu.memory_space<hbm>>) target(%arg16 : memref<64xf32, #tpu.memory_space<vmem>>) target_semaphore(%run_scoped3A_44 : memref<!tpu.dma_semaphore, #tpu.memory_space<semaphore_mem>>)
        tpu.wait_dma2 semaphore(%run_scoped3A_44 : memref<!tpu.dma_semaphore, #tpu.memory_space<semaphore_mem>>) src(%arg7 : memref<64xf32, #tpu.memory_space<hbm>>) dst(%arg16 : memref<64xf32, #tpu.memory_space<vmem>>)
        tpu.yield
      }) : () -> ()
      "tpu.region"() ({
        %run_scoped3A_44 = tpu.sem_alloc : memref<!tpu.dma_semaphore, #tpu.memory_space<semaphore_mem>>
        tpu.enqueue_dma source(%arg8 : memref<64xf32, #tpu.memory_space<hbm>>) target(%arg17 : memref<64xf32, #tpu.memory_space<vmem>>) target_semaphore(%run_scoped3A_44 : memref<!tpu.dma_semaphore, #tpu.memory_space<semaphore_mem>>)
        tpu.wait_dma2 semaphore(%run_scoped3A_44 : memref<!tpu.dma_semaphore, #tpu.memory_space<semaphore_mem>>) src(%arg8 : memref<64xf32, #tpu.memory_space<hbm>>) dst(%arg17 : memref<64xf32, #tpu.memory_space<vmem>>)
        tpu.yield
      }) : () -> ()
      %iota3A = tpu.iota {dimensions = array<i32: 0>} : vector<16xi32>
      %broadcast_in_dim3A = arith.constant 0 : i32
      %broadcast_in_dim3A_4 = vector.broadcast %broadcast_in_dim3A : i32 to vector<16xi32>
      %get3A = arith.constant 0 : index
      %get3A_5 = tpu.vector_load %arg10[%get3A] {strides = array<i32>} : memref<512xi32, #tpu.memory_space<vmem>>, vector<16xi32>,
      %get3A_6 = arith.constant 0 : index
      %get3A_7 = tpu.vector_load %arg11[%get3A_6] {strides = array<i32>} : memref<512xi32, #tpu.memory_space<vmem>>, vector<16xi32>,
      %broadcast_in_dim3A_8 = arith.constant 0 : i32
      %broadcast_in_dim3A_9 = vector.broadcast %broadcast_in_dim3A_8 : i32 to vector<16xi32>
      %broadcast_in_dim3A_10 = vector.shape_cast %broadcast_in_dim3A_9 : vector<16xi32> to vector<16x1xi32>
      %gather3A = vector.shape_cast %broadcast_in_dim3A_10 : vector<16x1xi32> to vector<16xi32>
      %gather3A_11 = tpu.dynamic_gather %get3A_7[%gather3A] in [0] : vector<16xi32>, vector<16xi32> -> vector<16xi32>
      %broadcast_in_dim3A_12 = arith.constant 0 : i32
      %broadcast_in_dim3A_13 = vector.broadcast %broadcast_in_dim3A_12 : i32 to vector<16xi32>
      %broadcast_in_dim3A_14 = vector.shape_cast %broadcast_in_dim3A_13 : vector<16xi32> to vector<16x1xi32>
      %gather3A_15 = vector.shape_cast %broadcast_in_dim3A_14 : vector<16x1xi32> to vector<16xi32>
      %gather3A_16 = tpu.dynamic_gather %get3A_5[%gather3A_15] in [0] : vector<16xi32>, vector<16xi32> -> vector<16xi32>
      %broadcast_in_dim3A_17 = arith.constant 0.000000e+00 : f32
      %broadcast_in_dim3A_18 = vector.broadcast %broadcast_in_dim3A_17 : f32 to vector<16xf32>
      %scan3A = arith.constant 0 : i32
      %scan3A_19 = arith.constant 32 : i32
      %scan3A_20 = arith.addi %scan3A, %scan3A_19 : i32
      %scan3A_21 = arith.constant 1 : i32
      %scan3A_22:7 = scf.for %scan3A_44 = %scan3A to %scan3A_20 step %scan3A_21 iter_args(%scan3A_45 = %broadcast_in_dim3A_4, %scan3A_46 = %broadcast_in_dim3A_4, %scan3A_47 = %broadcast_in_dim3A_4, %scan3A_48 = %broadcast_in_dim3A_4, %scan3A_49 = %gather3A_11, %scan3A_50 = %gather3A_16, %scan3A_51 = %broadcast_in_dim3A_18) -> (vector<16xi32>, vector<16xi32>, vector<16xi32>, vector<16xi32>, vector<16xi32>, vector<16xi32>, vector<16xf32>)  : i32 {
        %mul3A_52 = arith.constant 16 : i32
        %mul3A_53 = arith.muli %scan3A_44, %mul3A_52 : i32
        %get3A_54 = arith.index_cast %mul3A_53 : i32 to index
        %get3A_55 = tpu.vector_load %arg10[%get3A_54] {strides = array<i32>} : memref<512xi32, #tpu.memory_space<vmem>>, vector<16xi32>,
        %mul3A_56 = arith.constant 16 : i32
        %mul3A_57 = arith.muli %scan3A_44, %mul3A_56 : i32
        %get3A_58 = arith.index_cast %mul3A_57 : i32 to index
        %get3A_59 = tpu.vector_load %arg11[%get3A_58] {strides = array<i32>} : memref<512xi32, #tpu.memory_space<vmem>>, vector<16xi32>,
        %eq3A_60 = arith.constant 0 : i32
        %eq3A_61 = vector.broadcast %eq3A_60 : i32 to vector<16xi32>
        %eq3A_62 = arith.cmpi eq, %get3A_59, %eq3A_61 : vector<16xi32>
        %jit3A_63 = arith.constant 1 : i32
        %jit3A_64 = arith.constant 0 : i32
        %broadcast_in_dim3A_65 = vector.broadcast %jit3A_63 : i32 to vector<16xi32>
        %broadcast_in_dim3A_66 = vector.broadcast %jit3A_64 : i32 to vector<16xi32>
        %select_n3A_67 = arith.select %eq3A_62, %broadcast_in_dim3A_65, %broadcast_in_dim3A_66 : vector<16xi1>, vector<16xi32>
        %sub3A = arith.constant 1 : i32
        %sub3A_68 = vector.broadcast %sub3A : i32 to vector<16xi32>
        %sub3A_69 = arith.subi %sub3A_68, %select_n3A_67 : vector<16xi32>
        %eq3A_70 = arith.constant 1 : i32
        %eq3A_71 = vector.broadcast %eq3A_70 : i32 to vector<16xi32>
        %eq3A_72 = arith.cmpi eq, %select_n3A_67, %eq3A_71 : vector<16xi32>
        %iota3A_73 = tpu.iota {dimensions = array<i32: 0>} : vector<16xi32>
        %ge3A = arith.constant 1 : i32
        %ge3A_74 = vector.broadcast %ge3A : i32 to vector<16xi32>
        %ge3A_75 = arith.cmpi sge, %iota3A_73, %ge3A_74 : vector<16xi32>
        %sub3A_76 = arith.constant 1 : i32
        %sub3A_77 = vector.broadcast %sub3A_76 : i32 to vector<16xi32>
        %sub3A_78 = arith.subi %iota3A_73, %sub3A_77 : vector<16xi32>
        %max3A = arith.constant 0 : i32
        %max3A_79 = vector.broadcast %max3A : i32 to vector<16xi32>
        %max3A_80 = arith.maxsi %sub3A_78, %max3A_79 : vector<16xi32>
        %broadcast_in_dim3A_81 = vector.shape_cast %max3A_80 : vector<16xi32> to vector<16x1xi32>
        %gather3A_82 = vector.shape_cast %broadcast_in_dim3A_81 : vector<16x1xi32> to vector<16xi32>
        %gather3A_83 = tpu.dynamic_gather %get3A_55[%gather3A_82] in [0] : vector<16xi32>, vector<16xi32> -> vector<16xi32>
        %select_n3A_84 = arith.select %ge3A_75, %gather3A_83, %broadcast_in_dim3A_4 : vector<16xi1>, vector<16xi32>
        %select_n3A_85 = arith.select %eq3A_72, %get3A_55, %select_n3A_84 : vector<16xi1>, vector<16xi32>
        %iota3A_86 = tpu.iota {dimensions = array<i32: 0>} : vector<16xi32>
        %ge3A_87 = arith.constant 1 : i32
        %ge3A_88 = vector.broadcast %ge3A_87 : i32 to vector<16xi32>
        %ge3A_89 = arith.cmpi sge, %iota3A_86, %ge3A_88 : vector<16xi32>
        %sub3A_90 = arith.constant 1 : i32
        %sub3A_91 = vector.broadcast %sub3A_90 : i32 to vector<16xi32>
        %sub3A_92 = arith.subi %iota3A_86, %sub3A_91 : vector<16xi32>
        %max3A_93 = arith.constant 0 : i32
        %max3A_94 = vector.broadcast %max3A_93 : i32 to vector<16xi32>
        %max3A_95 = arith.maxsi %sub3A_92, %max3A_94 : vector<16xi32>
        %broadcast_in_dim3A_96 = vector.shape_cast %max3A_95 : vector<16xi32> to vector<16x1xi32>
        %gather3A_97 = vector.shape_cast %broadcast_in_dim3A_96 : vector<16x1xi32> to vector<16xi32>
        %gather3A_98 = tpu.dynamic_gather %select_n3A_67[%gather3A_97] in [0] : vector<16xi32>, vector<16xi32> -> vector<16xi32>
        %select_n3A_99 = arith.select %ge3A_89, %gather3A_98, %broadcast_in_dim3A_4 : vector<16xi1>, vector<16xi32>
        %max3A_100 = arith.maxsi %select_n3A_67, %select_n3A_99 : vector<16xi32>
        %eq3A_101 = arith.constant 1 : i32
        %eq3A_102 = vector.broadcast %eq3A_101 : i32 to vector<16xi32>
        %eq3A_103 = arith.cmpi eq, %sub3A_69, %eq3A_102 : vector<16xi32>
        %iota3A_104 = tpu.iota {dimensions = array<i32: 0>} : vector<16xi32>
        %ge3A_105 = arith.constant 1 : i32
        %ge3A_106 = vector.broadcast %ge3A_105 : i32 to vector<16xi32>
        %ge3A_107 = arith.cmpi sge, %iota3A_104, %ge3A_106 : vector<16xi32>
        %sub3A_108 = arith.constant 1 : i32
        %sub3A_109 = vector.broadcast %sub3A_108 : i32 to vector<16xi32>
        %sub3A_110 = arith.subi %iota3A_104, %sub3A_109 : vector<16xi32>
        %max3A_111 = arith.constant 0 : i32
        %max3A_112 = vector.broadcast %max3A_111 : i32 to vector<16xi32>
        %max3A_113 = arith.maxsi %sub3A_110, %max3A_112 : vector<16xi32>
        %broadcast_in_dim3A_114 = vector.shape_cast %max3A_113 : vector<16xi32> to vector<16x1xi32>
        %gather3A_115 = vector.shape_cast %broadcast_in_dim3A_114 : vector<16x1xi32> to vector<16xi32>
        %gather3A_116 = tpu.dynamic_gather %get3A_55[%gather3A_115] in [0] : vector<16xi32>, vector<16xi32> -> vector<16xi32>
        %select_n3A_117 = arith.select %ge3A_107, %gather3A_116, %broadcast_in_dim3A_4 : vector<16xi1>, vector<16xi32>
        %select_n3A_118 = arith.select %eq3A_103, %get3A_55, %select_n3A_117 : vector<16xi1>, vector<16xi32>
        %iota3A_119 = tpu.iota {dimensions = array<i32: 0>} : vector<16xi32>
        %ge3A_120 = arith.constant 1 : i32
        %ge3A_121 = vector.broadcast %ge3A_120 : i32 to vector<16xi32>
        %ge3A_122 = arith.cmpi sge, %iota3A_119, %ge3A_121 : vector<16xi32>
        %sub3A_123 = arith.constant 1 : i32
        %sub3A_124 = vector.broadcast %sub3A_123 : i32 to vector<16xi32>
        %sub3A_125 = arith.subi %iota3A_119, %sub3A_124 : vector<16xi32>
        %max3A_126 = arith.constant 0 : i32
        %max3A_127 = vector.broadcast %max3A_126 : i32 to vector<16xi32>
        %max3A_128 = arith.maxsi %sub3A_125, %max3A_127 : vector<16xi32>
        %broadcast_in_dim3A_129 = vector.shape_cast %max3A_128 : vector<16xi32> to vector<16x1xi32>
        %gather3A_130 = vector.shape_cast %broadcast_in_dim3A_129 : vector<16x1xi32> to vector<16xi32>
        %gather3A_131 = tpu.dynamic_gather %sub3A_69[%gather3A_130] in [0] : vector<16xi32>, vector<16xi32> -> vector<16xi32>
        %select_n3A_132 = arith.select %ge3A_122, %gather3A_131, %broadcast_in_dim3A_4 : vector<16xi1>, vector<16xi32>
        %max3A_133 = arith.maxsi %sub3A_69, %select_n3A_132 : vector<16xi32>
        %eq3A_134 = arith.constant 1 : i32
        %eq3A_135 = vector.broadcast %eq3A_134 : i32 to vector<16xi32>
        %eq3A_136 = arith.cmpi eq, %max3A_100, %eq3A_135 : vector<16xi32>
        %iota3A_137 = tpu.iota {dimensions = array<i32: 0>} : vector<16xi32>
        %ge3A_138 = arith.constant 2 : i32
        %ge3A_139 = vector.broadcast %ge3A_138 : i32 to vector<16xi32>
        %ge3A_140 = arith.cmpi sge, %iota3A_137, %ge3A_139 : vector<16xi32>
        %sub3A_141 = arith.constant 2 : i32
        %sub3A_142 = vector.broadcast %sub3A_141 : i32 to vector<16xi32>
        %sub3A_143 = arith.subi %iota3A_137, %sub3A_142 : vector<16xi32>
        %max3A_144 = arith.constant 0 : i32
        %max3A_145 = vector.broadcast %max3A_144 : i32 to vector<16xi32>
        %max3A_146 = arith.maxsi %sub3A_143, %max3A_145 : vector<16xi32>
        %broadcast_in_dim3A_147 = vector.shape_cast %max3A_146 : vector<16xi32> to vector<16x1xi32>
        %gather3A_148 = vector.shape_cast %broadcast_in_dim3A_147 : vector<16x1xi32> to vector<16xi32>
        %gather3A_149 = tpu.dynamic_gather %select_n3A_85[%gather3A_148] in [0] : vector<16xi32>, vector<16xi32> -> vector<16xi32>
        %select_n3A_150 = arith.select %ge3A_140, %gather3A_149, %broadcast_in_dim3A_4 : vector<16xi1>, vector<16xi32>
        %select_n3A_151 = arith.select %eq3A_136, %select_n3A_85, %select_n3A_150 : vector<16xi1>, vector<16xi32>
        %iota3A_152 = tpu.iota {dimensions = array<i32: 0>} : vector<16xi32>
        %ge3A_153 = arith.constant 2 : i32
        %ge3A_154 = vector.broadcast %ge3A_153 : i32 to vector<16xi32>
        %ge3A_155 = arith.cmpi sge, %iota3A_152, %ge3A_154 : vector<16xi32>
        %sub3A_156 = arith.constant 2 : i32
        %sub3A_157 = vector.broadcast %sub3A_156 : i32 to vector<16xi32>
        %sub3A_158 = arith.subi %iota3A_152, %sub3A_157 : vector<16xi32>
        %max3A_159 = arith.constant 0 : i32
        %max3A_160 = vector.broadcast %max3A_159 : i32 to vector<16xi32>
        %max3A_161 = arith.maxsi %sub3A_158, %max3A_160 : vector<16xi32>
        %broadcast_in_dim3A_162 = vector.shape_cast %max3A_161 : vector<16xi32> to vector<16x1xi32>
        %gather3A_163 = vector.shape_cast %broadcast_in_dim3A_162 : vector<16x1xi32> to vector<16xi32>
        %gather3A_164 = tpu.dynamic_gather %max3A_100[%gather3A_163] in [0] : vector<16xi32>, vector<16xi32> -> vector<16xi32>
        %select_n3A_165 = arith.select %ge3A_155, %gather3A_164, %broadcast_in_dim3A_4 : vector<16xi1>, vector<16xi32>
        %max3A_166 = arith.maxsi %max3A_100, %select_n3A_165 : vector<16xi32>
        %eq3A_167 = arith.constant 1 : i32
        %eq3A_168 = vector.broadcast %eq3A_167 : i32 to vector<16xi32>
        %eq3A_169 = arith.cmpi eq, %max3A_133, %eq3A_168 : vector<16xi32>
        %iota3A_170 = tpu.iota {dimensions = array<i32: 0>} : vector<16xi32>
        %ge3A_171 = arith.constant 2 : i32
        %ge3A_172 = vector.broadcast %ge3A_171 : i32 to vector<16xi32>
        %ge3A_173 = arith.cmpi sge, %iota3A_170, %ge3A_172 : vector<16xi32>
        %sub3A_174 = arith.constant 2 : i32
        %sub3A_175 = vector.broadcast %sub3A_174 : i32 to vector<16xi32>
        %sub3A_176 = arith.subi %iota3A_170, %sub3A_175 : vector<16xi32>
        %max3A_177 = arith.constant 0 : i32
        %max3A_178 = vector.broadcast %max3A_177 : i32 to vector<16xi32>
        %max3A_179 = arith.maxsi %sub3A_176, %max3A_178 : vector<16xi32>
        %broadcast_in_dim3A_180 = vector.shape_cast %max3A_179 : vector<16xi32> to vector<16x1xi32>
        %gather3A_181 = vector.shape_cast %broadcast_in_dim3A_180 : vector<16x1xi32> to vector<16xi32>
        %gather3A_182 = tpu.dynamic_gather %select_n3A_118[%gather3A_181] in [0] : vector<16xi32>, vector<16xi32> -> vector<16xi32>
        %select_n3A_183 = arith.select %ge3A_173, %gather3A_182, %broadcast_in_dim3A_4 : vector<16xi1>, vector<16xi32>
        %select_n3A_184 = arith.select %eq3A_169, %select_n3A_118, %select_n3A_183 : vector<16xi1>, vector<16xi32>
        %iota3A_185 = tpu.iota {dimensions = array<i32: 0>} : vector<16xi32>
        %ge3A_186 = arith.constant 2 : i32
        %ge3A_187 = vector.broadcast %ge3A_186 : i32 to vector<16xi32>
        %ge3A_188 = arith.cmpi sge, %iota3A_185, %ge3A_187 : vector<16xi32>
        %sub3A_189 = arith.constant 2 : i32
        %sub3A_190 = vector.broadcast %sub3A_189 : i32 to vector<16xi32>
        %sub3A_191 = arith.subi %iota3A_185, %sub3A_190 : vector<16xi32>
        %max3A_192 = arith.constant 0 : i32
        %max3A_193 = vector.broadcast %max3A_192 : i32 to vector<16xi32>
        %max3A_194 = arith.maxsi %sub3A_191, %max3A_193 : vector<16xi32>
        %broadcast_in_dim3A_195 = vector.shape_cast %max3A_194 : vector<16xi32> to vector<16x1xi32>
        %gather3A_196 = vector.shape_cast %broadcast_in_dim3A_195 : vector<16x1xi32> to vector<16xi32>
        %gather3A_197 = tpu.dynamic_gather %max3A_133[%gather3A_196] in [0] : vector<16xi32>, vector<16xi32> -> vector<16xi32>
        %select_n3A_198 = arith.select %ge3A_188, %gather3A_197, %broadcast_in_dim3A_4 : vector<16xi1>, vector<16xi32>
        %max3A_199 = arith.maxsi %max3A_133, %select_n3A_198 : vector<16xi32>
        %eq3A_200 = arith.constant 1 : i32
        %eq3A_201 = vector.broadcast %eq3A_200 : i32 to vector<16xi32>
        %eq3A_202 = arith.cmpi eq, %max3A_166, %eq3A_201 : vector<16xi32>
        %iota3A_203 = tpu.iota {dimensions = array<i32: 0>} : vector<16xi32>
        %ge3A_204 = arith.constant 4 : i32
        %ge3A_205 = vector.broadcast %ge3A_204 : i32 to vector<16xi32>
        %ge3A_206 = arith.cmpi sge, %iota3A_203, %ge3A_205 : vector<16xi32>
        %sub3A_207 = arith.constant 4 : i32
        %sub3A_208 = vector.broadcast %sub3A_207 : i32 to vector<16xi32>
        %sub3A_209 = arith.subi %iota3A_203, %sub3A_208 : vector<16xi32>
        %max3A_210 = arith.constant 0 : i32
        %max3A_211 = vector.broadcast %max3A_210 : i32 to vector<16xi32>
        %max3A_212 = arith.maxsi %sub3A_209, %max3A_211 : vector<16xi32>
        %broadcast_in_dim3A_213 = vector.shape_cast %max3A_212 : vector<16xi32> to vector<16x1xi32>
        %gather3A_214 = vector.shape_cast %broadcast_in_dim3A_213 : vector<16x1xi32> to vector<16xi32>
        %gather3A_215 = tpu.dynamic_gather %select_n3A_151[%gather3A_214] in [0] : vector<16xi32>, vector<16xi32> -> vector<16xi32>
        %select_n3A_216 = arith.select %ge3A_206, %gather3A_215, %broadcast_in_dim3A_4 : vector<16xi1>, vector<16xi32>
        %select_n3A_217 = arith.select %eq3A_202, %select_n3A_151, %select_n3A_216 : vector<16xi1>, vector<16xi32>
        %iota3A_218 = tpu.iota {dimensions = array<i32: 0>} : vector<16xi32>
        %ge3A_219 = arith.constant 4 : i32
        %ge3A_220 = vector.broadcast %ge3A_219 : i32 to vector<16xi32>
        %ge3A_221 = arith.cmpi sge, %iota3A_218, %ge3A_220 : vector<16xi32>
        %sub3A_222 = arith.constant 4 : i32
        %sub3A_223 = vector.broadcast %sub3A_222 : i32 to vector<16xi32>
        %sub3A_224 = arith.subi %iota3A_218, %sub3A_223 : vector<16xi32>
        %max3A_225 = arith.constant 0 : i32
        %max3A_226 = vector.broadcast %max3A_225 : i32 to vector<16xi32>
        %max3A_227 = arith.maxsi %sub3A_224, %max3A_226 : vector<16xi32>
        %broadcast_in_dim3A_228 = vector.shape_cast %max3A_227 : vector<16xi32> to vector<16x1xi32>
        %gather3A_229 = vector.shape_cast %broadcast_in_dim3A_228 : vector<16x1xi32> to vector<16xi32>
        %gather3A_230 = tpu.dynamic_gather %max3A_166[%gather3A_229] in [0] : vector<16xi32>, vector<16xi32> -> vector<16xi32>
        %select_n3A_231 = arith.select %ge3A_221, %gather3A_230, %broadcast_in_dim3A_4 : vector<16xi1>, vector<16xi32>
        %max3A_232 = arith.maxsi %max3A_166, %select_n3A_231 : vector<16xi32>
        %eq3A_233 = arith.constant 1 : i32
        %eq3A_234 = vector.broadcast %eq3A_233 : i32 to vector<16xi32>
        %eq3A_235 = arith.cmpi eq, %max3A_199, %eq3A_234 : vector<16xi32>
        %iota3A_236 = tpu.iota {dimensions = array<i32: 0>} : vector<16xi32>
        %ge3A_237 = arith.constant 4 : i32
        %ge3A_238 = vector.broadcast %ge3A_237 : i32 to vector<16xi32>
        %ge3A_239 = arith.cmpi sge, %iota3A_236, %ge3A_238 : vector<16xi32>
        %sub3A_240 = arith.constant 4 : i32
        %sub3A_241 = vector.broadcast %sub3A_240 : i32 to vector<16xi32>
        %sub3A_242 = arith.subi %iota3A_236, %sub3A_241 : vector<16xi32>
        %max3A_243 = arith.constant 0 : i32
        %max3A_244 = vector.broadcast %max3A_243 : i32 to vector<16xi32>
        %max3A_245 = arith.maxsi %sub3A_242, %max3A_244 : vector<16xi32>
        %broadcast_in_dim3A_246 = vector.shape_cast %max3A_245 : vector<16xi32> to vector<16x1xi32>
        %gather3A_247 = vector.shape_cast %broadcast_in_dim3A_246 : vector<16x1xi32> to vector<16xi32>
        %gather3A_248 = tpu.dynamic_gather %select_n3A_184[%gather3A_247] in [0] : vector<16xi32>, vector<16xi32> -> vector<16xi32>
        %select_n3A_249 = arith.select %ge3A_239, %gather3A_248, %broadcast_in_dim3A_4 : vector<16xi1>, vector<16xi32>
        %select_n3A_250 = arith.select %eq3A_235, %select_n3A_184, %select_n3A_249 : vector<16xi1>, vector<16xi32>
        %iota3A_251 = tpu.iota {dimensions = array<i32: 0>} : vector<16xi32>
        %ge3A_252 = arith.constant 4 : i32
        %ge3A_253 = vector.broadcast %ge3A_252 : i32 to vector<16xi32>
        %ge3A_254 = arith.cmpi sge, %iota3A_251, %ge3A_253 : vector<16xi32>
        %sub3A_255 = arith.constant 4 : i32
        %sub3A_256 = vector.broadcast %sub3A_255 : i32 to vector<16xi32>
        %sub3A_257 = arith.subi %iota3A_251, %sub3A_256 : vector<16xi32>
        %max3A_258 = arith.constant 0 : i32
        %max3A_259 = vector.broadcast %max3A_258 : i32 to vector<16xi32>
        %max3A_260 = arith.maxsi %sub3A_257, %max3A_259 : vector<16xi32>
        %broadcast_in_dim3A_261 = vector.shape_cast %max3A_260 : vector<16xi32> to vector<16x1xi32>
        %gather3A_262 = vector.shape_cast %broadcast_in_dim3A_261 : vector<16x1xi32> to vector<16xi32>
        %gather3A_263 = tpu.dynamic_gather %max3A_199[%gather3A_262] in [0] : vector<16xi32>, vector<16xi32> -> vector<16xi32>
        %select_n3A_264 = arith.select %ge3A_254, %gather3A_263, %broadcast_in_dim3A_4 : vector<16xi1>, vector<16xi32>
        %max3A_265 = arith.maxsi %max3A_199, %select_n3A_264 : vector<16xi32>
        %eq3A_266 = arith.constant 1 : i32
        %eq3A_267 = vector.broadcast %eq3A_266 : i32 to vector<16xi32>
        %eq3A_268 = arith.cmpi eq, %max3A_232, %eq3A_267 : vector<16xi32>
        %iota3A_269 = tpu.iota {dimensions = array<i32: 0>} : vector<16xi32>
        %ge3A_270 = arith.constant 8 : i32
        %ge3A_271 = vector.broadcast %ge3A_270 : i32 to vector<16xi32>
        %ge3A_272 = arith.cmpi sge, %iota3A_269, %ge3A_271 : vector<16xi32>
        %sub3A_273 = arith.constant 8 : i32
        %sub3A_274 = vector.broadcast %sub3A_273 : i32 to vector<16xi32>
        %sub3A_275 = arith.subi %iota3A_269, %sub3A_274 : vector<16xi32>
        %max3A_276 = arith.constant 0 : i32
        %max3A_277 = vector.broadcast %max3A_276 : i32 to vector<16xi32>
        %max3A_278 = arith.maxsi %sub3A_275, %max3A_277 : vector<16xi32>
        %broadcast_in_dim3A_279 = vector.shape_cast %max3A_278 : vector<16xi32> to vector<16x1xi32>
        %gather3A_280 = vector.shape_cast %broadcast_in_dim3A_279 : vector<16x1xi32> to vector<16xi32>
        %gather3A_281 = tpu.dynamic_gather %select_n3A_217[%gather3A_280] in [0] : vector<16xi32>, vector<16xi32> -> vector<16xi32>
        %select_n3A_282 = arith.select %ge3A_272, %gather3A_281, %broadcast_in_dim3A_4 : vector<16xi1>, vector<16xi32>
        %select_n3A_283 = arith.select %eq3A_268, %select_n3A_217, %select_n3A_282 : vector<16xi1>, vector<16xi32>
        %iota3A_284 = tpu.iota {dimensions = array<i32: 0>} : vector<16xi32>
        %ge3A_285 = arith.constant 8 : i32
        %ge3A_286 = vector.broadcast %ge3A_285 : i32 to vector<16xi32>
        %ge3A_287 = arith.cmpi sge, %iota3A_284, %ge3A_286 : vector<16xi32>
        %sub3A_288 = arith.constant 8 : i32
        %sub3A_289 = vector.broadcast %sub3A_288 : i32 to vector<16xi32>
        %sub3A_290 = arith.subi %iota3A_284, %sub3A_289 : vector<16xi32>
        %max3A_291 = arith.constant 0 : i32
        %max3A_292 = vector.broadcast %max3A_291 : i32 to vector<16xi32>
        %max3A_293 = arith.maxsi %sub3A_290, %max3A_292 : vector<16xi32>
        %broadcast_in_dim3A_294 = vector.shape_cast %max3A_293 : vector<16xi32> to vector<16x1xi32>
        %gather3A_295 = vector.shape_cast %broadcast_in_dim3A_294 : vector<16x1xi32> to vector<16xi32>
        %gather3A_296 = tpu.dynamic_gather %max3A_232[%gather3A_295] in [0] : vector<16xi32>, vector<16xi32> -> vector<16xi32>
        %select_n3A_297 = arith.select %ge3A_287, %gather3A_296, %broadcast_in_dim3A_4 : vector<16xi1>, vector<16xi32>
        %max3A_298 = arith.maxsi %max3A_232, %select_n3A_297 : vector<16xi32>
        %eq3A_299 = arith.constant 1 : i32
        %eq3A_300 = vector.broadcast %eq3A_299 : i32 to vector<16xi32>
        %eq3A_301 = arith.cmpi eq, %max3A_265, %eq3A_300 : vector<16xi32>
        %iota3A_302 = tpu.iota {dimensions = array<i32: 0>} : vector<16xi32>
        %ge3A_303 = arith.constant 8 : i32
        %ge3A_304 = vector.broadcast %ge3A_303 : i32 to vector<16xi32>
        %ge3A_305 = arith.cmpi sge, %iota3A_302, %ge3A_304 : vector<16xi32>
        %sub3A_306 = arith.constant 8 : i32
        %sub3A_307 = vector.broadcast %sub3A_306 : i32 to vector<16xi32>
        %sub3A_308 = arith.subi %iota3A_302, %sub3A_307 : vector<16xi32>
        %max3A_309 = arith.constant 0 : i32
        %max3A_310 = vector.broadcast %max3A_309 : i32 to vector<16xi32>
        %max3A_311 = arith.maxsi %sub3A_308, %max3A_310 : vector<16xi32>
        %broadcast_in_dim3A_312 = vector.shape_cast %max3A_311 : vector<16xi32> to vector<16x1xi32>
        %gather3A_313 = vector.shape_cast %broadcast_in_dim3A_312 : vector<16x1xi32> to vector<16xi32>
        %gather3A_314 = tpu.dynamic_gather %select_n3A_250[%gather3A_313] in [0] : vector<16xi32>, vector<16xi32> -> vector<16xi32>
        %select_n3A_315 = arith.select %ge3A_305, %gather3A_314, %broadcast_in_dim3A_4 : vector<16xi1>, vector<16xi32>
        %select_n3A_316 = arith.select %eq3A_301, %select_n3A_250, %select_n3A_315 : vector<16xi1>, vector<16xi32>
        %iota3A_317 = tpu.iota {dimensions = array<i32: 0>} : vector<16xi32>
        %ge3A_318 = arith.constant 8 : i32
        %ge3A_319 = vector.broadcast %ge3A_318 : i32 to vector<16xi32>
        %ge3A_320 = arith.cmpi sge, %iota3A_317, %ge3A_319 : vector<16xi32>
        %sub3A_321 = arith.constant 8 : i32
        %sub3A_322 = vector.broadcast %sub3A_321 : i32 to vector<16xi32>
        %sub3A_323 = arith.subi %iota3A_317, %sub3A_322 : vector<16xi32>
        %max3A_324 = arith.constant 0 : i32
        %max3A_325 = vector.broadcast %max3A_324 : i32 to vector<16xi32>
        %max3A_326 = arith.maxsi %sub3A_323, %max3A_325 : vector<16xi32>
        %broadcast_in_dim3A_327 = vector.shape_cast %max3A_326 : vector<16xi32> to vector<16x1xi32>
        %gather3A_328 = vector.shape_cast %broadcast_in_dim3A_327 : vector<16x1xi32> to vector<16xi32>
        %gather3A_329 = tpu.dynamic_gather %max3A_265[%gather3A_328] in [0] : vector<16xi32>, vector<16xi32> -> vector<16xi32>
        %select_n3A_330 = arith.select %ge3A_320, %gather3A_329, %broadcast_in_dim3A_4 : vector<16xi1>, vector<16xi32>
        %max3A_331 = arith.maxsi %max3A_265, %select_n3A_330 : vector<16xi32>
        %iota3A_332 = tpu.iota {dimensions = array<i32: 0>} : vector<16xi32>
        %ge3A_333 = arith.constant 1 : i32
        %ge3A_334 = vector.broadcast %ge3A_333 : i32 to vector<16xi32>
        %ge3A_335 = arith.cmpi sge, %iota3A_332, %ge3A_334 : vector<16xi32>
        %sub3A_336 = arith.constant 1 : i32
        %sub3A_337 = vector.broadcast %sub3A_336 : i32 to vector<16xi32>
        %sub3A_338 = arith.subi %iota3A_332, %sub3A_337 : vector<16xi32>
        %max3A_339 = arith.constant 0 : i32
        %max3A_340 = vector.broadcast %max3A_339 : i32 to vector<16xi32>
        %max3A_341 = arith.maxsi %sub3A_338, %max3A_340 : vector<16xi32>
        %broadcast_in_dim3A_342 = vector.shape_cast %max3A_341 : vector<16xi32> to vector<16x1xi32>
        %gather3A_343 = vector.shape_cast %broadcast_in_dim3A_342 : vector<16x1xi32> to vector<16xi32>
        %gather3A_344 = tpu.dynamic_gather %select_n3A_283[%gather3A_343] in [0] : vector<16xi32>, vector<16xi32> -> vector<16xi32>
        %select_n3A_345 = arith.select %ge3A_335, %gather3A_344, %scan3A_45 : vector<16xi1>, vector<16xi32>
        %iota3A_346 = tpu.iota {dimensions = array<i32: 0>} : vector<16xi32>
        %ge3A_347 = arith.constant 1 : i32
        %ge3A_348 = vector.broadcast %ge3A_347 : i32 to vector<16xi32>
        %ge3A_349 = arith.cmpi sge, %iota3A_346, %ge3A_348 : vector<16xi32>
        %sub3A_350 = arith.constant 1 : i32
        %sub3A_351 = vector.broadcast %sub3A_350 : i32 to vector<16xi32>
        %sub3A_352 = arith.subi %iota3A_346, %sub3A_351 : vector<16xi32>
        %max3A_353 = arith.constant 0 : i32
        %max3A_354 = vector.broadcast %max3A_353 : i32 to vector<16xi32>
        %max3A_355 = arith.maxsi %sub3A_352, %max3A_354 : vector<16xi32>
        %broadcast_in_dim3A_356 = vector.shape_cast %max3A_355 : vector<16xi32> to vector<16x1xi32>
        %gather3A_357 = vector.shape_cast %broadcast_in_dim3A_356 : vector<16x1xi32> to vector<16xi32>
        %gather3A_358 = tpu.dynamic_gather %max3A_298[%gather3A_357] in [0] : vector<16xi32>, vector<16xi32> -> vector<16xi32>
        %select_n3A_359 = arith.select %ge3A_349, %gather3A_358, %broadcast_in_dim3A_4 : vector<16xi1>, vector<16xi32>
        %max3A_360 = arith.maxsi %select_n3A_359, %scan3A_46 : vector<16xi32>
        %iota3A_361 = tpu.iota {dimensions = array<i32: 0>} : vector<16xi32>
        %ge3A_362 = arith.constant 1 : i32
        %ge3A_363 = vector.broadcast %ge3A_362 : i32 to vector<16xi32>
        %ge3A_364 = arith.cmpi sge, %iota3A_361, %ge3A_363 : vector<16xi32>
        %sub3A_365 = arith.constant 1 : i32
        %sub3A_366 = vector.broadcast %sub3A_365 : i32 to vector<16xi32>
        %sub3A_367 = arith.subi %iota3A_361, %sub3A_366 : vector<16xi32>
        %max3A_368 = arith.constant 0 : i32
        %max3A_369 = vector.broadcast %max3A_368 : i32 to vector<16xi32>
        %max3A_370 = arith.maxsi %sub3A_367, %max3A_369 : vector<16xi32>
        %broadcast_in_dim3A_371 = vector.shape_cast %max3A_370 : vector<16xi32> to vector<16x1xi32>
        %gather3A_372 = vector.shape_cast %broadcast_in_dim3A_371 : vector<16x1xi32> to vector<16xi32>
        %gather3A_373 = tpu.dynamic_gather %max3A_298[%gather3A_372] in [0] : vector<16xi32>, vector<16xi32> -> vector<16xi32>
        %select_n3A_374 = arith.select %ge3A_364, %gather3A_373, %broadcast_in_dim3A_4 : vector<16xi1>, vector<16xi32>
        %eq3A_375 = arith.constant 1 : i32
        %eq3A_376 = vector.broadcast %eq3A_375 : i32 to vector<16xi32>
        %eq3A_377 = arith.cmpi eq, %select_n3A_374, %eq3A_376 : vector<16xi32>
        %select_n3A_378 = arith.select %eq3A_377, %select_n3A_345, %scan3A_45 : vector<16xi1>, vector<16xi32>
        %iota3A_379 = tpu.iota {dimensions = array<i32: 0>} : vector<16xi32>
        %ge3A_380 = arith.constant 1 : i32
        %ge3A_381 = vector.broadcast %ge3A_380 : i32 to vector<16xi32>
        %ge3A_382 = arith.cmpi sge, %iota3A_379, %ge3A_381 : vector<16xi32>
        %sub3A_383 = arith.constant 1 : i32
        %sub3A_384 = vector.broadcast %sub3A_383 : i32 to vector<16xi32>
        %sub3A_385 = arith.subi %iota3A_379, %sub3A_384 : vector<16xi32>
        %max3A_386 = arith.constant 0 : i32
        %max3A_387 = vector.broadcast %max3A_386 : i32 to vector<16xi32>
        %max3A_388 = arith.maxsi %sub3A_385, %max3A_387 : vector<16xi32>
        %broadcast_in_dim3A_389 = vector.shape_cast %max3A_388 : vector<16xi32> to vector<16x1xi32>
        %gather3A_390 = vector.shape_cast %broadcast_in_dim3A_389 : vector<16x1xi32> to vector<16xi32>
        %gather3A_391 = tpu.dynamic_gather %select_n3A_316[%gather3A_390] in [0] : vector<16xi32>, vector<16xi32> -> vector<16xi32>
        %select_n3A_392 = arith.select %ge3A_382, %gather3A_391, %scan3A_47 : vector<16xi1>, vector<16xi32>
        %iota3A_393 = tpu.iota {dimensions = array<i32: 0>} : vector<16xi32>
        %ge3A_394 = arith.constant 1 : i32
        %ge3A_395 = vector.broadcast %ge3A_394 : i32 to vector<16xi32>
        %ge3A_396 = arith.cmpi sge, %iota3A_393, %ge3A_395 : vector<16xi32>
        %sub3A_397 = arith.constant 1 : i32
        %sub3A_398 = vector.broadcast %sub3A_397 : i32 to vector<16xi32>
        %sub3A_399 = arith.subi %iota3A_393, %sub3A_398 : vector<16xi32>
        %max3A_400 = arith.constant 0 : i32
        %max3A_401 = vector.broadcast %max3A_400 : i32 to vector<16xi32>
        %max3A_402 = arith.maxsi %sub3A_399, %max3A_401 : vector<16xi32>
        %broadcast_in_dim3A_403 = vector.shape_cast %max3A_402 : vector<16xi32> to vector<16x1xi32>
        %gather3A_404 = vector.shape_cast %broadcast_in_dim3A_403 : vector<16x1xi32> to vector<16xi32>
        %gather3A_405 = tpu.dynamic_gather %max3A_331[%gather3A_404] in [0] : vector<16xi32>, vector<16xi32> -> vector<16xi32>
        %select_n3A_406 = arith.select %ge3A_396, %gather3A_405, %broadcast_in_dim3A_4 : vector<16xi1>, vector<16xi32>
        %max3A_407 = arith.maxsi %select_n3A_406, %scan3A_48 : vector<16xi32>
        %iota3A_408 = tpu.iota {dimensions = array<i32: 0>} : vector<16xi32>
        %ge3A_409 = arith.constant 1 : i32
        %ge3A_410 = vector.broadcast %ge3A_409 : i32 to vector<16xi32>
        %ge3A_411 = arith.cmpi sge, %iota3A_408, %ge3A_410 : vector<16xi32>
        %sub3A_412 = arith.constant 1 : i32
        %sub3A_413 = vector.broadcast %sub3A_412 : i32 to vector<16xi32>
        %sub3A_414 = arith.subi %iota3A_408, %sub3A_413 : vector<16xi32>
        %max3A_415 = arith.constant 0 : i32
        %max3A_416 = vector.broadcast %max3A_415 : i32 to vector<16xi32>
        %max3A_417 = arith.maxsi %sub3A_414, %max3A_416 : vector<16xi32>
        %broadcast_in_dim3A_418 = vector.shape_cast %max3A_417 : vector<16xi32> to vector<16x1xi32>
        %gather3A_419 = vector.shape_cast %broadcast_in_dim3A_418 : vector<16x1xi32> to vector<16xi32>
        %gather3A_420 = tpu.dynamic_gather %max3A_331[%gather3A_419] in [0] : vector<16xi32>, vector<16xi32> -> vector<16xi32>
        %select_n3A_421 = arith.select %ge3A_411, %gather3A_420, %broadcast_in_dim3A_4 : vector<16xi1>, vector<16xi32>
        %eq3A_422 = arith.constant 1 : i32
        %eq3A_423 = vector.broadcast %eq3A_422 : i32 to vector<16xi32>
        %eq3A_424 = arith.cmpi eq, %select_n3A_421, %eq3A_423 : vector<16xi32>
        %select_n3A_425 = arith.select %eq3A_424, %select_n3A_392, %scan3A_47 : vector<16xi1>, vector<16xi32>
        %eq3A_426 = arith.constant 0 : i32
        %eq3A_427 = vector.broadcast %eq3A_426 : i32 to vector<16xi32>
        %eq3A_428 = arith.cmpi eq, %get3A_59, %eq3A_427 : vector<16xi32>
        %select_n3A_429 = arith.select %eq3A_428, %select_n3A_378, %select_n3A_425 : vector<16xi1>, vector<16xi32>
        %eq3A_430 = arith.constant 0 : i32
        %eq3A_431 = vector.broadcast %eq3A_430 : i32 to vector<16xi32>
        %eq3A_432 = arith.cmpi eq, %get3A_59, %eq3A_431 : vector<16xi32>
        %select_n3A_433 = arith.select %eq3A_432, %max3A_360, %max3A_407 : vector<16xi1>, vector<16xi32>
        %convert_element_type3A_434 = arith.sitofp %select_n3A_433 : vector<16xi32> to vector<16xf32>
        %iota3A_435 = tpu.iota {dimensions = array<i32: 0>} : vector<16xi32>
        %ge3A_436 = arith.constant 1 : i32
        %ge3A_437 = vector.broadcast %ge3A_436 : i32 to vector<16xi32>
        %ge3A_438 = arith.cmpi sge, %iota3A_435, %ge3A_437 : vector<16xi32>
        %sub3A_439 = arith.constant 1 : i32
        %sub3A_440 = vector.broadcast %sub3A_439 : i32 to vector<16xi32>
        %sub3A_441 = arith.subi %iota3A_435, %sub3A_440 : vector<16xi32>
        %max3A_442 = arith.constant 0 : i32
        %max3A_443 = vector.broadcast %max3A_442 : i32 to vector<16xi32>
        %max3A_444 = arith.maxsi %sub3A_441, %max3A_443 : vector<16xi32>
        %broadcast_in_dim3A_445 = vector.shape_cast %max3A_444 : vector<16xi32> to vector<16x1xi32>
        %gather3A_446 = vector.shape_cast %broadcast_in_dim3A_445 : vector<16x1xi32> to vector<16xi32>
        %gather3A_447 = tpu.dynamic_gather %get3A_59[%gather3A_446] in [0] : vector<16xi32>, vector<16xi32> -> vector<16xi32>
        %select_n3A_448 = arith.select %ge3A_438, %gather3A_447, %scan3A_49 : vector<16xi1>, vector<16xi32>
        %iota3A_449 = tpu.iota {dimensions = array<i32: 0>} : vector<16xi32>
        %ge3A_450 = arith.constant 1 : i32
        %ge3A_451 = vector.broadcast %ge3A_450 : i32 to vector<16xi32>
        %ge3A_452 = arith.cmpi sge, %iota3A_449, %ge3A_451 : vector<16xi32>
        %sub3A_453 = arith.constant 1 : i32
        %sub3A_454 = vector.broadcast %sub3A_453 : i32 to vector<16xi32>
        %sub3A_455 = arith.subi %iota3A_449, %sub3A_454 : vector<16xi32>
        %max3A_456 = arith.constant 0 : i32
        %max3A_457 = vector.broadcast %max3A_456 : i32 to vector<16xi32>
        %max3A_458 = arith.maxsi %sub3A_455, %max3A_457 : vector<16xi32>
        %broadcast_in_dim3A_459 = vector.shape_cast %max3A_458 : vector<16xi32> to vector<16x1xi32>
        %gather3A_460 = vector.shape_cast %broadcast_in_dim3A_459 : vector<16x1xi32> to vector<16xi32>
        %gather3A_461 = tpu.dynamic_gather %get3A_55[%gather3A_460] in [0] : vector<16xi32>, vector<16xi32> -> vector<16xi32>
        %select_n3A_462 = arith.select %ge3A_452, %gather3A_461, %scan3A_50 : vector<16xi1>, vector<16xi32>
        %ne3A = arith.cmpi ne, %get3A_59, %select_n3A_448 : vector<16xi32>
        %jit3A_463 = arith.constant 1.000000e+00 : f32
        %jit3A_464 = arith.constant 0.000000e+00 : f32
        %broadcast_in_dim3A_465 = vector.broadcast %jit3A_463 : f32 to vector<16xf32>
        %broadcast_in_dim3A_466 = vector.broadcast %jit3A_464 : f32 to vector<16xf32>
        %select_n3A_467 = arith.select %ne3A, %broadcast_in_dim3A_465, %broadcast_in_dim3A_466 : vector<16xi1>, vector<16xf32>
        %mul3A_468 = arith.constant 64 : i32
        %mul3A_469 = vector.broadcast %mul3A_468 : i32 to vector<16xi32>
        %mul3A_470 = arith.muli %select_n3A_429, %mul3A_469 : vector<16xi32>
        %add3A_471 = arith.addi %mul3A_470, %get3A_55 : vector<16xi32>
        %gather3A_472 = tpu.vector_load_idx %arg14[%add3A_471] : memref<4096xf32, #tpu.memory_space<vmem>>[vector<16xi32>], vector<16xf32>,
        %mul3A_473 = arith.constant 64 : i32
        %mul3A_474 = vector.broadcast %mul3A_473 : i32 to vector<16xi32>
        %mul3A_475 = arith.muli %select_n3A_462, %mul3A_474 : vector<16xi32>
        %add3A_476 = arith.addi %mul3A_475, %get3A_55 : vector<16xi32>
        %gather3A_477 = tpu.vector_load_idx %arg15[%add3A_476] : memref<4096xf32, #tpu.memory_space<vmem>>[vector<16xi32>], vector<16xf32>,
        %mul3A_478 = arith.constant 16 : i32
        %mul3A_479 = arith.muli %scan3A_44, %mul3A_478 : i32
        %add3A_480 = vector.broadcast %mul3A_479 : i32 to vector<16xi32>
        %add3A_481 = arith.addi %add3A_480, %iota3A : vector<16xi32>
        %mul3A_482 = arith.constant 64 : i32
        %mul3A_483 = vector.broadcast %mul3A_482 : i32 to vector<16xi32>
        %mul3A_484 = arith.muli %add3A_481, %mul3A_483 : vector<16xi32>
        %add3A_485 = arith.addi %mul3A_484, %get3A_55 : vector<16xi32>
        %lt3A_486 = arith.constant 16384 : i32
        %lt3A_487 = vector.broadcast %lt3A_486 : i32 to vector<16xi32>
        %lt3A_488 = arith.cmpi slt, %add3A_485, %lt3A_487 : vector<16xi32>
        %min3A = arith.constant 16383 : i32
        %min3A_489 = vector.broadcast %min3A : i32 to vector<16xi32>
        %min3A_490 = arith.minsi %add3A_485, %min3A_489 : vector<16xi32>
        %gather3A_491 = tpu.vector_load_idx %arg12[%min3A_490] : memref<16384xf32, #tpu.memory_space<vmem>>[vector<16xi32>], vector<16xf32>,
        %sub3A_492 = arith.constant 16384 : i32
        %sub3A_493 = vector.broadcast %sub3A_492 : i32 to vector<16xi32>
        %sub3A_494 = arith.subi %add3A_485, %sub3A_493 : vector<16xi32>
        %max3A_495 = arith.constant 0 : i32
        %max3A_496 = vector.broadcast %max3A_495 : i32 to vector<16xi32>
        %max3A_497 = arith.maxsi %sub3A_494, %max3A_496 : vector<16xi32>
        %gather3A_498 = tpu.vector_load_idx %arg13[%max3A_497] : memref<16384xf32, #tpu.memory_space<vmem>>[vector<16xi32>], vector<16xf32>,
        %select_n3A_499 = arith.select %lt3A_488, %gather3A_491, %gather3A_498 : vector<16xi1>, vector<16xf32>
        %mul3A_500 = arith.mulf %gather3A_472, %convert_element_type3A_434 : vector<16xf32>
        %add3A_501 = arith.addf %scan3A_51, %mul3A_500 : vector<16xf32>
        %mul3A_502 = arith.mulf %gather3A_477, %select_n3A_467 : vector<16xf32>
        %add3A_503 = arith.addf %add3A_501, %mul3A_502 : vector<16xf32>
        %add3A_504 = arith.addf %add3A_503, %select_n3A_499 : vector<16xf32>
        %broadcast_in_dim3A_505 = arith.constant 15 : i32
        %broadcast_in_dim3A_506 = vector.broadcast %broadcast_in_dim3A_505 : i32 to vector<16xi32>
        %broadcast_in_dim3A_507 = vector.shape_cast %broadcast_in_dim3A_506 : vector<16xi32> to vector<16x1xi32>
        %gather3A_508 = vector.shape_cast %broadcast_in_dim3A_507 : vector<16x1xi32> to vector<16xi32>
        %gather3A_509 = tpu.dynamic_gather %max3A_298[%gather3A_508] in [0] : vector<16xi32>, vector<16xi32> -> vector<16xi32>
        %broadcast_in_dim3A_510 = arith.constant 15 : i32
        %broadcast_in_dim3A_511 = vector.broadcast %broadcast_in_dim3A_510 : i32 to vector<16xi32>
        %broadcast_in_dim3A_512 = vector.shape_cast %broadcast_in_dim3A_511 : vector<16xi32> to vector<16x1xi32>
        %gather3A_513 = vector.shape_cast %broadcast_in_dim3A_512 : vector<16x1xi32> to vector<16xi32>
        %gather3A_514 = tpu.dynamic_gather %max3A_331[%gather3A_513] in [0] : vector<16xi32>, vector<16xi32> -> vector<16xi32>
        %eq3A_515 = arith.constant 1 : i32
        %eq3A_516 = vector.broadcast %eq3A_515 : i32 to vector<16xi32>
        %eq3A_517 = arith.cmpi eq, %gather3A_509, %eq3A_516 : vector<16xi32>
        %broadcast_in_dim3A_518 = arith.constant 15 : i32
        %broadcast_in_dim3A_519 = vector.broadcast %broadcast_in_dim3A_518 : i32 to vector<16xi32>
        %broadcast_in_dim3A_520 = vector.shape_cast %broadcast_in_dim3A_519 : vector<16xi32> to vector<16x1xi32>
        %gather3A_521 = vector.shape_cast %broadcast_in_dim3A_520 : vector<16x1xi32> to vector<16xi32>
        %gather3A_522 = tpu.dynamic_gather %select_n3A_283[%gather3A_521] in [0] : vector<16xi32>, vector<16xi32> -> vector<16xi32>
        %select_n3A_523 = arith.select %eq3A_517, %gather3A_522, %scan3A_45 : vector<16xi1>, vector<16xi32>
        %max3A_524 = arith.maxsi %scan3A_46, %gather3A_509 : vector<16xi32>
        %eq3A_525 = arith.constant 1 : i32
        %eq3A_526 = vector.broadcast %eq3A_525 : i32 to vector<16xi32>
        %eq3A_527 = arith.cmpi eq, %gather3A_514, %eq3A_526 : vector<16xi32>
        %broadcast_in_dim3A_528 = arith.constant 15 : i32
        %broadcast_in_dim3A_529 = vector.broadcast %broadcast_in_dim3A_528 : i32 to vector<16xi32>
        %broadcast_in_dim3A_530 = vector.shape_cast %broadcast_in_dim3A_529 : vector<16xi32> to vector<16x1xi32>
        %gather3A_531 = vector.shape_cast %broadcast_in_dim3A_530 : vector<16x1xi32> to vector<16xi32>
        %gather3A_532 = tpu.dynamic_gather %select_n3A_316[%gather3A_531] in [0] : vector<16xi32>, vector<16xi32> -> vector<16xi32>
        %select_n3A_533 = arith.select %eq3A_527, %gather3A_532, %scan3A_47 : vector<16xi1>, vector<16xi32>
        %max3A_534 = arith.maxsi %scan3A_48, %gather3A_514 : vector<16xi32>
        %broadcast_in_dim3A_535 = arith.constant 15 : i32
        %broadcast_in_dim3A_536 = vector.broadcast %broadcast_in_dim3A_535 : i32 to vector<16xi32>
        %broadcast_in_dim3A_537 = vector.shape_cast %broadcast_in_dim3A_536 : vector<16xi32> to vector<16x1xi32>
        %gather3A_538 = vector.shape_cast %broadcast_in_dim3A_537 : vector<16x1xi32> to vector<16xi32>
        %gather3A_539 = tpu.dynamic_gather %get3A_59[%gather3A_538] in [0] : vector<16xi32>, vector<16xi32> -> vector<16xi32>
        %broadcast_in_dim3A_540 = arith.constant 15 : i32
        %broadcast_in_dim3A_541 = vector.broadcast %broadcast_in_dim3A_540 : i32 to vector<16xi32>
        %broadcast_in_dim3A_542 = vector.shape_cast %broadcast_in_dim3A_541 : vector<16xi32> to vector<16x1xi32>
        %gather3A_543 = vector.shape_cast %broadcast_in_dim3A_542 : vector<16x1xi32> to vector<16xi32>
        %gather3A_544 = tpu.dynamic_gather %get3A_55[%gather3A_543] in [0] : vector<16xi32>, vector<16xi32> -> vector<16xi32>
        scf.yield %select_n3A_523, %max3A_524, %select_n3A_533, %max3A_534, %gather3A_539, %gather3A_544, %add3A_504 : vector<16xi32>, vector<16xi32>, vector<16xi32>, vector<16xi32>, vector<16xi32>, vector<16xi32>, vector<16xf32>
      }
      %scan3A_23 = arith.constant 32 : i32
      %broadcast_in_dim3A_24 = arith.constant 0 : i32
      %broadcast_in_dim3A_25 = vector.broadcast %broadcast_in_dim3A_24 : i32 to vector<16xi32>
      %broadcast_in_dim3A_26 = vector.shape_cast %broadcast_in_dim3A_25 : vector<16xi32> to vector<16x1xi32>
      %gather3A_27 = vector.shape_cast %broadcast_in_dim3A_26 : vector<16x1xi32> to vector<16xi32>
      %gather3A_28 = tpu.dynamic_gather %get3A_5[%gather3A_27] in [0] : vector<16xi32>, vector<16xi32> -> vector<16xi32>
      %get3A_29 = arith.constant 496 : index
      %get3A_30 = tpu.vector_load %arg10[%get3A_29] {strides = array<i32>} : memref<512xi32, #tpu.memory_space<vmem>>, vector<16xi32>,
      %broadcast_in_dim3A_31 = arith.constant 15 : i32
      %broadcast_in_dim3A_32 = vector.broadcast %broadcast_in_dim3A_31 : i32 to vector<16xi32>
      %broadcast_in_dim3A_33 = vector.shape_cast %broadcast_in_dim3A_32 : vector<16xi32> to vector<16x1xi32>
      %gather3A_34 = vector.shape_cast %broadcast_in_dim3A_33 : vector<16x1xi32> to vector<16xi32>
      %gather3A_35 = tpu.dynamic_gather %get3A_30[%gather3A_34] in [0] : vector<16xi32>, vector<16xi32> -> vector<16xi32>
      %gather3A_36 = tpu.vector_load_idx %arg16[%gather3A_28] : memref<64xf32, #tpu.memory_space<vmem>>[vector<16xi32>], vector<16xf32>,
      %gather3A_37 = tpu.vector_load_idx %arg17[%gather3A_35] : memref<64xf32, #tpu.memory_space<vmem>>[vector<16xi32>], vector<16xf32>,
      %eq3A = arith.constant 0 : i32
      %eq3A_38 = vector.broadcast %eq3A : i32 to vector<16xi32>
      %eq3A_39 = arith.cmpi eq, %iota3A, %eq3A_38 : vector<16xi32>
      %add3A_40 = arith.addf %gather3A_36, %gather3A_37 : vector<16xf32>
      %jit3A = arith.constant 0.000000e+00 : f32
      %broadcast_in_dim3A_41 = vector.broadcast %jit3A : f32 to vector<16xf32>
      %select_n3A = arith.select %eq3A_39, %add3A_40, %broadcast_in_dim3A_41 : vector<16xi1>, vector<16xf32>
      %add3A_42 = arith.addf %scan3A_22#6, %select_n3A : vector<16xf32>
      %swap3A = arith.constant 0 : index
      %swap3A_43 = tpu.vector_load %arg18[%swap3A] {strides = array<i32>} : memref<16xf32, #tpu.memory_space<vmem>>, vector<16xf32>,
      tpu.vector_store %arg18[%swap3A], %add3A_42 {strides = array<i32>} : memref<16xf32, #tpu.memory_space<vmem>>, vector<16xf32>,
      "tpu.region"() ({
        %run_scoped3A_44 = tpu.sem_alloc : memref<!tpu.dma_semaphore, #tpu.memory_space<semaphore_mem>>
        %dma_start3A = arith.constant 0 : i32
        %dma_start3A_45 = tpu.memref_slice %arg9[%add3A, %dma_start3A] : memref<16x16xf32, #tpu.memory_space<hbm>> -> memref<1x16xf32, #tpu.memory_space<hbm>>
        %dma_start3A_46 = tpu.memref_squeeze %dma_start3A_45 : memref<1x16xf32, #tpu.memory_space<hbm>> -> memref<16xf32, #tpu.memory_space<hbm>>
        %dma_start3A_47 = arith.constant 0 : i32
        %dma_start3A_48 = tpu.memref_slice %arg9[%add3A, %dma_start3A_47] : memref<16x16xf32, #tpu.memory_space<hbm>> -> memref<1x16xf32, #tpu.memory_space<hbm>>
        %dma_start3A_49 = tpu.memref_squeeze %dma_start3A_48 : memref<1x16xf32, #tpu.memory_space<hbm>> -> memref<16xf32, #tpu.memory_space<hbm>>
        tpu.enqueue_dma source(%arg18 : memref<16xf32, #tpu.memory_space<vmem>>) target(%dma_start3A_49 : memref<16xf32, #tpu.memory_space<hbm>>) target_semaphore(%run_scoped3A_44 : memref<!tpu.dma_semaphore, #tpu.memory_space<semaphore_mem>>)
        %dma_wait3A = arith.constant 0 : i32
        %dma_wait3A_50 = tpu.memref_slice %arg9[%add3A, %dma_wait3A] : memref<16x16xf32, #tpu.memory_space<hbm>> -> memref<1x16xf32, #tpu.memory_space<hbm>>
        %dma_wait3A_51 = tpu.memref_squeeze %dma_wait3A_50 : memref<1x16xf32, #tpu.memory_space<hbm>> -> memref<16xf32, #tpu.memory_space<hbm>>
        %dma_wait3A_52 = arith.constant 0 : i32
        %dma_wait3A_53 = tpu.memref_slice %arg9[%add3A, %dma_wait3A_52] : memref<16x16xf32, #tpu.memory_space<hbm>> -> memref<1x16xf32, #tpu.memory_space<hbm>>
        %dma_wait3A_54 = tpu.memref_squeeze %dma_wait3A_53 : memref<1x16xf32, #tpu.memory_space<hbm>> -> memref<16xf32, #tpu.memory_space<hbm>>
        tpu.wait_dma2 semaphore(%run_scoped3A_44 : memref<!tpu.dma_semaphore, #tpu.memory_space<semaphore_mem>>) src(%arg18 : memref<16xf32, #tpu.memory_space<vmem>>) dst(%dma_wait3A_54 : memref<16xf32, #tpu.memory_space<hbm>>)
        tpu.yield
      }) : () -> ()
    } else {
    }
    return
  }
}

module attributes {stable_mosaic.version = 14 : i64} {
  func.func @_crf_body(%arg0: memref<512x16x64xf32, #tpu.memory_space<vmem>>, %arg1: memref<512x16xi32, #tpu.memory_space<vmem>>, %arg2: memref<512x16xi32, #tpu.memory_space<vmem>>, %arg3: memref<1x64xf32, #tpu.memory_space<vmem>>, %arg4: memref<1x64xf32, #tpu.memory_space<vmem>>, %arg5: memref<64x64xf32, #tpu.memory_space<vmem>>, %arg6: memref<64x64xf32, #tpu.memory_space<vmem>>, %arg7: memref<64x64xf32, #tpu.memory_space<vmem>>, %arg8: memref<64x64xf32, #tpu.memory_space<vmem>>, %arg9: memref<1x1xf32, #tpu.memory_space<vmem>>, %arg10: memref<512x16x192xbf16, #tpu.memory_space<vmem>>, %arg11: memref<512x16x192xbf16, #tpu.memory_space<vmem>>) attributes {dimension_semantics = [], scalar_prefetch = 0 : i64, scratch_operands = 2 : i64, tpu.core_type = #tpu.core_type<tc>} {
    %get3A = arith.constant 0 : index
    %get3A_0 = arith.constant 0 : index
    %get3A_1 = vector.load %arg2[%get3A, %get3A_0] : memref<512x16xi32, #tpu.memory_space<vmem>>, vector<512x16xi32>
    %eq3A = arith.constant 0 : i32
    %eq3A_2 = vector.broadcast %eq3A : i32 to vector<512x16xi32>
    %eq3A_3 = arith.cmpi eq, %get3A_1, %eq3A_2 : vector<512x16xi32>
    %jit3A = arith.constant 1 : i32
    %jit3A_4 = arith.constant 0 : i32
    %broadcast_in_dim3A = vector.broadcast %jit3A : i32 to vector<512x16xi32>
    %broadcast_in_dim3A_5 = vector.broadcast %jit3A_4 : i32 to vector<512x16xi32>
    %select_n3A = arith.select %eq3A_3, %broadcast_in_dim3A, %broadcast_in_dim3A_5 : vector<512x16xi1>, vector<512x16xi32>
    %broadcast_in_dim3A_6 = arith.constant 0 : i32
    %broadcast_in_dim3A_7 = vector.broadcast %broadcast_in_dim3A_6 : i32 to vector<1x16xi32>
    %slice3A = vector.extract_strided_slice %select_n3A {offsets = [0, 0], sizes = [511, 16], strides = [1, 1]} : vector<512x16xi32> to vector<511x16xi32>
    %concatenate3A = tpu.concatenate %broadcast_in_dim3A_7, %slice3A in 0 : vector<1x16xi32>, vector<511x16xi32> -> vector<512x16xi32>
    %max3A = arith.maxsi %select_n3A, %concatenate3A : vector<512x16xi32>
    %broadcast_in_dim3A_8 = arith.constant 0 : i32
    %broadcast_in_dim3A_9 = vector.broadcast %broadcast_in_dim3A_8 : i32 to vector<2x16xi32>
    %slice3A_10 = vector.extract_strided_slice %max3A {offsets = [0, 0], sizes = [510, 16], strides = [1, 1]} : vector<512x16xi32> to vector<510x16xi32>
    %concatenate3A_11 = tpu.concatenate %broadcast_in_dim3A_9, %slice3A_10 in 0 : vector<2x16xi32>, vector<510x16xi32> -> vector<512x16xi32>
    %max3A_12 = arith.maxsi %max3A, %concatenate3A_11 : vector<512x16xi32>
    %broadcast_in_dim3A_13 = arith.constant 0 : i32
    %broadcast_in_dim3A_14 = vector.broadcast %broadcast_in_dim3A_13 : i32 to vector<4x16xi32>
    %slice3A_15 = vector.extract_strided_slice %max3A_12 {offsets = [0, 0], sizes = [508, 16], strides = [1, 1]} : vector<512x16xi32> to vector<508x16xi32>
    %concatenate3A_16 = tpu.concatenate %broadcast_in_dim3A_14, %slice3A_15 in 0 : vector<4x16xi32>, vector<508x16xi32> -> vector<512x16xi32>
    %max3A_17 = arith.maxsi %max3A_12, %concatenate3A_16 : vector<512x16xi32>
    %broadcast_in_dim3A_18 = arith.constant 0 : i32
    %broadcast_in_dim3A_19 = vector.broadcast %broadcast_in_dim3A_18 : i32 to vector<8x16xi32>
    %slice3A_20 = vector.extract_strided_slice %max3A_17 {offsets = [0, 0], sizes = [504, 16], strides = [1, 1]} : vector<512x16xi32> to vector<504x16xi32>
    %concatenate3A_21 = tpu.concatenate %broadcast_in_dim3A_19, %slice3A_20 in 0 : vector<8x16xi32>, vector<504x16xi32> -> vector<512x16xi32>
    %max3A_22 = arith.maxsi %max3A_17, %concatenate3A_21 : vector<512x16xi32>
    %broadcast_in_dim3A_23 = arith.constant 0 : i32
    %broadcast_in_dim3A_24 = vector.broadcast %broadcast_in_dim3A_23 : i32 to vector<16x16xi32>
    %slice3A_25 = vector.extract_strided_slice %max3A_22 {offsets = [0, 0], sizes = [496, 16], strides = [1, 1]} : vector<512x16xi32> to vector<496x16xi32>
    %concatenate3A_26 = tpu.concatenate %broadcast_in_dim3A_24, %slice3A_25 in 0 : vector<16x16xi32>, vector<496x16xi32> -> vector<512x16xi32>
    %max3A_27 = arith.maxsi %max3A_22, %concatenate3A_26 : vector<512x16xi32>
    %broadcast_in_dim3A_28 = arith.constant 0 : i32
    %broadcast_in_dim3A_29 = vector.broadcast %broadcast_in_dim3A_28 : i32 to vector<32x16xi32>
    %slice3A_30 = vector.extract_strided_slice %max3A_27 {offsets = [0, 0], sizes = [480, 16], strides = [1, 1]} : vector<512x16xi32> to vector<480x16xi32>
    %concatenate3A_31 = tpu.concatenate %broadcast_in_dim3A_29, %slice3A_30 in 0 : vector<32x16xi32>, vector<480x16xi32> -> vector<512x16xi32>
    %max3A_32 = arith.maxsi %max3A_27, %concatenate3A_31 : vector<512x16xi32>
    %broadcast_in_dim3A_33 = arith.constant 0 : i32
    %broadcast_in_dim3A_34 = vector.broadcast %broadcast_in_dim3A_33 : i32 to vector<64x16xi32>
    %slice3A_35 = vector.extract_strided_slice %max3A_32 {offsets = [0, 0], sizes = [448, 16], strides = [1, 1]} : vector<512x16xi32> to vector<448x16xi32>
    %concatenate3A_36 = tpu.concatenate %broadcast_in_dim3A_34, %slice3A_35 in 0 : vector<64x16xi32>, vector<448x16xi32> -> vector<512x16xi32>
    %max3A_37 = arith.maxsi %max3A_32, %concatenate3A_36 : vector<512x16xi32>
    %broadcast_in_dim3A_38 = arith.constant 0 : i32
    %broadcast_in_dim3A_39 = vector.broadcast %broadcast_in_dim3A_38 : i32 to vector<128x16xi32>
    %slice3A_40 = vector.extract_strided_slice %max3A_37 {offsets = [0, 0], sizes = [384, 16], strides = [1, 1]} : vector<512x16xi32> to vector<384x16xi32>
    %concatenate3A_41 = tpu.concatenate %broadcast_in_dim3A_39, %slice3A_40 in 0 : vector<128x16xi32>, vector<384x16xi32> -> vector<512x16xi32>
    %max3A_42 = arith.maxsi %max3A_37, %concatenate3A_41 : vector<512x16xi32>
    %broadcast_in_dim3A_43 = arith.constant 0 : i32
    %broadcast_in_dim3A_44 = vector.broadcast %broadcast_in_dim3A_43 : i32 to vector<256x16xi32>
    %slice3A_45 = vector.extract_strided_slice %max3A_42 {offsets = [0, 0], sizes = [256, 16], strides = [1, 1]} : vector<512x16xi32> to vector<256x16xi32>
    %concatenate3A_46 = tpu.concatenate %broadcast_in_dim3A_44, %slice3A_45 in 0 : vector<256x16xi32>, vector<256x16xi32> -> vector<512x16xi32>
    %max3A_47 = arith.maxsi %max3A_42, %concatenate3A_46 : vector<512x16xi32>
    %sub3A = arith.constant 1 : i32
    %sub3A_48 = vector.broadcast %sub3A : i32 to vector<512x16xi32>
    %sub3A_49 = arith.subi %sub3A_48, %select_n3A : vector<512x16xi32>
    %broadcast_in_dim3A_50 = arith.constant 0 : i32
    %broadcast_in_dim3A_51 = vector.broadcast %broadcast_in_dim3A_50 : i32 to vector<1x16xi32>
    %slice3A_52 = vector.extract_strided_slice %sub3A_49 {offsets = [0, 0], sizes = [511, 16], strides = [1, 1]} : vector<512x16xi32> to vector<511x16xi32>
    %concatenate3A_53 = tpu.concatenate %broadcast_in_dim3A_51, %slice3A_52 in 0 : vector<1x16xi32>, vector<511x16xi32> -> vector<512x16xi32>
    %max3A_54 = arith.maxsi %sub3A_49, %concatenate3A_53 : vector<512x16xi32>
    %broadcast_in_dim3A_55 = arith.constant 0 : i32
    %broadcast_in_dim3A_56 = vector.broadcast %broadcast_in_dim3A_55 : i32 to vector<2x16xi32>
    %slice3A_57 = vector.extract_strided_slice %max3A_54 {offsets = [0, 0], sizes = [510, 16], strides = [1, 1]} : vector<512x16xi32> to vector<510x16xi32>
    %concatenate3A_58 = tpu.concatenate %broadcast_in_dim3A_56, %slice3A_57 in 0 : vector<2x16xi32>, vector<510x16xi32> -> vector<512x16xi32>
    %max3A_59 = arith.maxsi %max3A_54, %concatenate3A_58 : vector<512x16xi32>
    %broadcast_in_dim3A_60 = arith.constant 0 : i32
    %broadcast_in_dim3A_61 = vector.broadcast %broadcast_in_dim3A_60 : i32 to vector<4x16xi32>
    %slice3A_62 = vector.extract_strided_slice %max3A_59 {offsets = [0, 0], sizes = [508, 16], strides = [1, 1]} : vector<512x16xi32> to vector<508x16xi32>
    %concatenate3A_63 = tpu.concatenate %broadcast_in_dim3A_61, %slice3A_62 in 0 : vector<4x16xi32>, vector<508x16xi32> -> vector<512x16xi32>
    %max3A_64 = arith.maxsi %max3A_59, %concatenate3A_63 : vector<512x16xi32>
    %broadcast_in_dim3A_65 = arith.constant 0 : i32
    %broadcast_in_dim3A_66 = vector.broadcast %broadcast_in_dim3A_65 : i32 to vector<8x16xi32>
    %slice3A_67 = vector.extract_strided_slice %max3A_64 {offsets = [0, 0], sizes = [504, 16], strides = [1, 1]} : vector<512x16xi32> to vector<504x16xi32>
    %concatenate3A_68 = tpu.concatenate %broadcast_in_dim3A_66, %slice3A_67 in 0 : vector<8x16xi32>, vector<504x16xi32> -> vector<512x16xi32>
    %max3A_69 = arith.maxsi %max3A_64, %concatenate3A_68 : vector<512x16xi32>
    %broadcast_in_dim3A_70 = arith.constant 0 : i32
    %broadcast_in_dim3A_71 = vector.broadcast %broadcast_in_dim3A_70 : i32 to vector<16x16xi32>
    %slice3A_72 = vector.extract_strided_slice %max3A_69 {offsets = [0, 0], sizes = [496, 16], strides = [1, 1]} : vector<512x16xi32> to vector<496x16xi32>
    %concatenate3A_73 = tpu.concatenate %broadcast_in_dim3A_71, %slice3A_72 in 0 : vector<16x16xi32>, vector<496x16xi32> -> vector<512x16xi32>
    %max3A_74 = arith.maxsi %max3A_69, %concatenate3A_73 : vector<512x16xi32>
    %broadcast_in_dim3A_75 = arith.constant 0 : i32
    %broadcast_in_dim3A_76 = vector.broadcast %broadcast_in_dim3A_75 : i32 to vector<32x16xi32>
    %slice3A_77 = vector.extract_strided_slice %max3A_74 {offsets = [0, 0], sizes = [480, 16], strides = [1, 1]} : vector<512x16xi32> to vector<480x16xi32>
    %concatenate3A_78 = tpu.concatenate %broadcast_in_dim3A_76, %slice3A_77 in 0 : vector<32x16xi32>, vector<480x16xi32> -> vector<512x16xi32>
    %max3A_79 = arith.maxsi %max3A_74, %concatenate3A_78 : vector<512x16xi32>
    %broadcast_in_dim3A_80 = arith.constant 0 : i32
    %broadcast_in_dim3A_81 = vector.broadcast %broadcast_in_dim3A_80 : i32 to vector<64x16xi32>
    %slice3A_82 = vector.extract_strided_slice %max3A_79 {offsets = [0, 0], sizes = [448, 16], strides = [1, 1]} : vector<512x16xi32> to vector<448x16xi32>
    %concatenate3A_83 = tpu.concatenate %broadcast_in_dim3A_81, %slice3A_82 in 0 : vector<64x16xi32>, vector<448x16xi32> -> vector<512x16xi32>
    %max3A_84 = arith.maxsi %max3A_79, %concatenate3A_83 : vector<512x16xi32>
    %broadcast_in_dim3A_85 = arith.constant 0 : i32
    %broadcast_in_dim3A_86 = vector.broadcast %broadcast_in_dim3A_85 : i32 to vector<128x16xi32>
    %slice3A_87 = vector.extract_strided_slice %max3A_84 {offsets = [0, 0], sizes = [384, 16], strides = [1, 1]} : vector<512x16xi32> to vector<384x16xi32>
    %concatenate3A_88 = tpu.concatenate %broadcast_in_dim3A_86, %slice3A_87 in 0 : vector<128x16xi32>, vector<384x16xi32> -> vector<512x16xi32>
    %max3A_89 = arith.maxsi %max3A_84, %concatenate3A_88 : vector<512x16xi32>
    %broadcast_in_dim3A_90 = arith.constant 0 : i32
    %broadcast_in_dim3A_91 = vector.broadcast %broadcast_in_dim3A_90 : i32 to vector<256x16xi32>
    %slice3A_92 = vector.extract_strided_slice %max3A_89 {offsets = [0, 0], sizes = [256, 16], strides = [1, 1]} : vector<512x16xi32> to vector<256x16xi32>
    %concatenate3A_93 = tpu.concatenate %broadcast_in_dim3A_91, %slice3A_92 in 0 : vector<256x16xi32>, vector<256x16xi32> -> vector<512x16xi32>
    %max3A_94 = arith.maxsi %max3A_89, %concatenate3A_93 : vector<512x16xi32>
    %broadcast_in_dim3A_95 = vector.shape_cast %get3A_1 : vector<512x16xi32> to vector<512x16x1xi32>
    %broadcast_in_dim3A_96 = vector.shape_cast %broadcast_in_dim3A_95 : vector<512x16x1xi32> to vector<512x16x1xi32>
    %broadcast_in_dim3A_97 = vector.broadcast %broadcast_in_dim3A_96 : vector<512x16x1xi32> to vector<512x16x64xi32>
    %convert_element_type3A = arith.sitofp %max3A_47 : vector<512x16xi32> to vector<512x16xf32>
    %broadcast_in_dim3A_98 = vector.shape_cast %convert_element_type3A : vector<512x16xf32> to vector<512x16x1xf32>
    %broadcast_in_dim3A_99 = vector.shape_cast %broadcast_in_dim3A_98 : vector<512x16x1xf32> to vector<512x16x1xf32>
    %broadcast_in_dim3A_100 = vector.broadcast %broadcast_in_dim3A_99 : vector<512x16x1xf32> to vector<512x16x64xf32>
    %convert_element_type3A_101 = arith.sitofp %max3A_94 : vector<512x16xi32> to vector<512x16xf32>
    %broadcast_in_dim3A_102 = vector.shape_cast %convert_element_type3A_101 : vector<512x16xf32> to vector<512x16x1xf32>
    %broadcast_in_dim3A_103 = vector.shape_cast %broadcast_in_dim3A_102 : vector<512x16x1xf32> to vector<512x16x1xf32>
    %broadcast_in_dim3A_104 = vector.broadcast %broadcast_in_dim3A_103 : vector<512x16x1xf32> to vector<512x16x64xf32>
    %eq3A_105 = arith.constant 0 : i32
    %eq3A_106 = vector.broadcast %eq3A_105 : i32 to vector<512x16x64xi32>
    %eq3A_107 = arith.cmpi eq, %broadcast_in_dim3A_97, %eq3A_106 : vector<512x16x64xi32>
    %broadcast_in_dim3A_108 = arith.constant 0.000000e+00 : f32
    %broadcast_in_dim3A_109 = vector.broadcast %broadcast_in_dim3A_108 : f32 to vector<1x16x64xf32>
    %slice3A_110 = vector.extract_strided_slice %broadcast_in_dim3A_100 {offsets = [0, 0, 0], sizes = [511, 16, 64], strides = [1, 1, 1]} : vector<512x16x64xf32> to vector<511x16x64xf32>
    %concatenate3A_111 = tpu.concatenate %broadcast_in_dim3A_109, %slice3A_110 in 0 : vector<1x16x64xf32>, vector<511x16x64xf32> -> vector<512x16x64xf32>
    %broadcast_in_dim3A_112 = arith.constant 0.000000e+00 : f32
    %broadcast_in_dim3A_113 = vector.broadcast %broadcast_in_dim3A_112 : f32 to vector<1x16x64xf32>
    %slice3A_114 = vector.extract_strided_slice %broadcast_in_dim3A_104 {offsets = [0, 0, 0], sizes = [511, 16, 64], strides = [1, 1, 1]} : vector<512x16x64xf32> to vector<511x16x64xf32>
    %concatenate3A_115 = tpu.concatenate %broadcast_in_dim3A_113, %slice3A_114 in 0 : vector<1x16x64xf32>, vector<511x16x64xf32> -> vector<512x16x64xf32>
    %select_n3A_116 = arith.select %eq3A_107, %concatenate3A_111, %concatenate3A_115 : vector<512x16x64xi1>, vector<512x16x64xf32>
    %slice3A_117 = vector.extract_strided_slice %broadcast_in_dim3A_97 {offsets = [0, 0, 0], sizes = [1, 16, 64], strides = [1, 1, 1]} : vector<512x16x64xi32> to vector<1x16x64xi32>
    %slice3A_118 = vector.extract_strided_slice %broadcast_in_dim3A_97 {offsets = [0, 0, 0], sizes = [511, 16, 64], strides = [1, 1, 1]} : vector<512x16x64xi32> to vector<511x16x64xi32>
    %concatenate3A_119 = tpu.concatenate %slice3A_117, %slice3A_118 in 0 : vector<1x16x64xi32>, vector<511x16x64xi32> -> vector<512x16x64xi32>
    %ne3A = arith.cmpi ne, %broadcast_in_dim3A_97, %concatenate3A_119 : vector<512x16x64xi32>
    %jit3A_120 = arith.constant 1.000000e+00 : f32
    %jit3A_121 = arith.constant 0.000000e+00 : f32
    %broadcast_in_dim3A_122 = vector.broadcast %jit3A_120 : f32 to vector<512x16x64xf32>
    %broadcast_in_dim3A_123 = vector.broadcast %jit3A_121 : f32 to vector<512x16x64xf32>
    %select_n3A_124 = arith.select %ne3A, %broadcast_in_dim3A_122, %broadcast_in_dim3A_123 : vector<512x16x64xi1>, vector<512x16x64xf32>
    %get3A_125 = arith.constant 0 : index
    %get3A_126 = arith.constant 0 : index
    %get3A_127 = arith.constant 0 : index
    %get3A_128 = vector.load %arg0[%get3A_125, %get3A_126, %get3A_127] : memref<512x16x64xf32, #tpu.memory_space<vmem>>, vector<512x16x64xf32>
    %sub3A_129 = arith.constant 1.000000e+00 : f32
    %sub3A_130 = vector.broadcast %sub3A_129 : f32 to vector<512x16x64xf32>
    %sub3A_131 = arith.subf %sub3A_130, %select_n3A_124 : vector<512x16x64xf32>
    %mul3A = arith.mulf %select_n3A_116, %sub3A_131 : vector<512x16x64xf32>
    %sub3A_132 = arith.constant 1.000000e+00 : f32
    %sub3A_133 = vector.broadcast %sub3A_132 : f32 to vector<512x16x64xf32>
    %sub3A_134 = arith.subf %sub3A_133, %select_n3A_116 : vector<512x16x64xf32>
    %mul3A_135 = arith.mulf %select_n3A_124, %sub3A_134 : vector<512x16x64xf32>
    %mul3A_136 = arith.mulf %select_n3A_116, %select_n3A_124 : vector<512x16x64xf32>
    %exp3A = math.exp %get3A_128 : vector<512x16x64xf32>
    %slice3A_137 = vector.extract_strided_slice %exp3A {offsets = [0, 0, 0], sizes = [1, 16, 64], strides = [1, 1, 1]} : vector<512x16x64xf32> to vector<1x16x64xf32>
    %slice3A_138 = vector.extract_strided_slice %exp3A {offsets = [0, 0, 0], sizes = [511, 16, 64], strides = [1, 1, 1]} : vector<512x16x64xf32> to vector<511x16x64xf32>
    %concatenate3A_139 = tpu.concatenate %slice3A_137, %slice3A_138 in 0 : vector<1x16x64xf32>, vector<511x16x64xf32> -> vector<512x16x64xf32>
    %slice3A_140 = vector.extract_strided_slice %mul3A {offsets = [0, 0, 0], sizes = [264, 16, 64], strides = [1, 1, 1]} : vector<512x16x64xf32> to vector<264x16x64xf32>
    %slice3A_141 = vector.extract_strided_slice %concatenate3A_139 {offsets = [0, 0, 0], sizes = [264, 16, 64], strides = [1, 1, 1]} : vector<512x16x64xf32> to vector<264x16x64xf32>
    %mul3A_142 = arith.mulf %slice3A_140, %slice3A_141 : vector<264x16x64xf32>
    %slice3A_143 = vector.extract_strided_slice %mul3A_135 {offsets = [0, 0, 0], sizes = [264, 16, 64], strides = [1, 1, 1]} : vector<512x16x64xf32> to vector<264x16x64xf32>
    %slice3A_144 = vector.extract_strided_slice %concatenate3A_139 {offsets = [0, 0, 0], sizes = [264, 16, 64], strides = [1, 1, 1]} : vector<512x16x64xf32> to vector<264x16x64xf32>
    %mul3A_145 = arith.mulf %slice3A_143, %slice3A_144 : vector<264x16x64xf32>
    %slice3A_146 = vector.extract_strided_slice %mul3A_136 {offsets = [0, 0, 0], sizes = [264, 16, 64], strides = [1, 1, 1]} : vector<512x16x64xf32> to vector<264x16x64xf32>
    %slice3A_147 = vector.extract_strided_slice %concatenate3A_139 {offsets = [0, 0, 0], sizes = [264, 16, 64], strides = [1, 1, 1]} : vector<512x16x64xf32> to vector<264x16x64xf32>
    %mul3A_148 = arith.mulf %slice3A_146, %slice3A_147 : vector<264x16x64xf32>
    %concatenate3A_149 = tpu.concatenate %mul3A_142, %mul3A_145, %mul3A_148 in 2 : vector<264x16x64xf32>, vector<264x16x64xf32>, vector<264x16x64xf32> -> vector<264x16x192xf32>
    %convert_element_type3A_150 = arith.truncf %concatenate3A_149 : vector<264x16x192xf32> to vector<264x16x192xbf16>
    %swap3A = arith.constant 0 : index
    %swap3A_151 = arith.constant 0 : index
    %swap3A_152 = arith.constant 0 : index
    %swap3A_153 = vector.load %arg10[%swap3A, %swap3A_151, %swap3A_152] : memref<512x16x192xbf16, #tpu.memory_space<vmem>>, vector<264x16x192xbf16>
    tpu.vector_store %arg10[%swap3A, %swap3A_151, %swap3A_152], %convert_element_type3A_150 {strides = array<i32>} : memref<512x16x192xbf16, #tpu.memory_space<vmem>>, vector<264x16x192xbf16>,
    %slice3A_154 = vector.extract_strided_slice %mul3A {offsets = [256, 0, 0], sizes = [256, 16, 64], strides = [1, 1, 1]} : vector<512x16x64xf32> to vector<256x16x64xf32>
    %slice3A_155 = vector.extract_strided_slice %exp3A {offsets = [256, 0, 0], sizes = [256, 16, 64], strides = [1, 1, 1]} : vector<512x16x64xf32> to vector<256x16x64xf32>
    %mul3A_156 = arith.mulf %slice3A_154, %slice3A_155 : vector<256x16x64xf32>
    %slice3A_157 = vector.extract_strided_slice %mul3A_135 {offsets = [256, 0, 0], sizes = [256, 16, 64], strides = [1, 1, 1]} : vector<512x16x64xf32> to vector<256x16x64xf32>
    %slice3A_158 = vector.extract_strided_slice %exp3A {offsets = [256, 0, 0], sizes = [256, 16, 64], strides = [1, 1, 1]} : vector<512x16x64xf32> to vector<256x16x64xf32>
    %mul3A_159 = arith.mulf %slice3A_157, %slice3A_158 : vector<256x16x64xf32>
    %slice3A_160 = vector.extract_strided_slice %mul3A_136 {offsets = [256, 0, 0], sizes = [256, 16, 64], strides = [1, 1, 1]} : vector<512x16x64xf32> to vector<256x16x64xf32>
    %slice3A_161 = vector.extract_strided_slice %exp3A {offsets = [256, 0, 0], sizes = [256, 16, 64], strides = [1, 1, 1]} : vector<512x16x64xf32> to vector<256x16x64xf32>
    %mul3A_162 = arith.mulf %slice3A_160, %slice3A_161 : vector<256x16x64xf32>
    %concatenate3A_163 = tpu.concatenate %mul3A_156, %mul3A_159, %mul3A_162 in 2 : vector<256x16x64xf32>, vector<256x16x64xf32>, vector<256x16x64xf32> -> vector<256x16x192xf32>
    %convert_element_type3A_164 = arith.truncf %concatenate3A_163 : vector<256x16x192xf32> to vector<256x16x192xbf16>
    %swap3A_165 = arith.constant 256 : index
    %swap3A_166 = arith.constant 0 : index
    %swap3A_167 = arith.constant 0 : index
    %swap3A_168 = vector.load %arg11[%swap3A_165, %swap3A_166, %swap3A_167] : memref<512x16x192xbf16, #tpu.memory_space<vmem>>, vector<256x16x192xbf16>
    tpu.vector_store %arg11[%swap3A_165, %swap3A_166, %swap3A_167], %convert_element_type3A_164 {strides = array<i32>} : memref<512x16x192xbf16, #tpu.memory_space<vmem>>, vector<256x16x192xbf16>,
    %get3A_169 = arith.constant 0 : index
    %get3A_170 = arith.constant 0 : index
    %get3A_171 = vector.load %arg5[%get3A_169, %get3A_170] : memref<64x64xf32, #tpu.memory_space<vmem>>, vector<64x64xf32>
    %exp3A_172 = math.exp %get3A_171 : vector<64x64xf32>
    %get3A_173 = arith.constant 0 : index
    %get3A_174 = arith.constant 0 : index
    %get3A_175 = vector.load %arg6[%get3A_173, %get3A_174] : memref<64x64xf32, #tpu.memory_space<vmem>>, vector<64x64xf32>
    %exp3A_176 = math.exp %get3A_175 : vector<64x64xf32>
    %get3A_177 = arith.constant 0 : index
    %get3A_178 = arith.constant 0 : index
    %get3A_179 = vector.load %arg5[%get3A_177, %get3A_178] : memref<64x64xf32, #tpu.memory_space<vmem>>, vector<64x64xf32>
    %get3A_180 = arith.constant 0 : index
    %get3A_181 = arith.constant 0 : index
    %get3A_182 = vector.load %arg6[%get3A_180, %get3A_181] : memref<64x64xf32, #tpu.memory_space<vmem>>, vector<64x64xf32>
    %add3A = arith.addf %get3A_179, %get3A_182 : vector<64x64xf32>
    %exp3A_183 = math.exp %add3A : vector<64x64xf32>
    %concatenate3A_184 = tpu.concatenate %exp3A_172, %exp3A_172, %exp3A_172 in 1 : vector<64x64xf32>, vector<64x64xf32>, vector<64x64xf32> -> vector<64x192xf32>
    %concatenate3A_185 = tpu.concatenate %exp3A_176, %exp3A_176, %exp3A_176 in 1 : vector<64x64xf32>, vector<64x64xf32>, vector<64x64xf32> -> vector<64x192xf32>
    %concatenate3A_186 = tpu.concatenate %exp3A_183, %exp3A_183, %exp3A_183 in 1 : vector<64x64xf32>, vector<64x64xf32>, vector<64x64xf32> -> vector<64x192xf32>
    %concatenate3A_187 = tpu.concatenate %concatenate3A_184, %concatenate3A_185, %concatenate3A_186 in 0 : vector<64x192xf32>, vector<64x192xf32>, vector<64x192xf32> -> vector<192x192xf32>
    %mul3A_188 = arith.constant 3.125000e-02 : f32
    %mul3A_189 = vector.broadcast %mul3A_188 : f32 to vector<192x192xf32>
    %mul3A_190 = arith.mulf %mul3A_189, %concatenate3A_187 : vector<192x192xf32>
    %convert_element_type3A_191 = arith.truncf %mul3A_190 : vector<192x192xf32> to vector<192x192xbf16>
    %get3A_192 = arith.constant 0 : index
    %get3A_193 = arith.constant 0 : index
    %get3A_194 = vector.load %arg7[%get3A_192, %get3A_193] : memref<64x64xf32, #tpu.memory_space<vmem>>, vector<64x64xf32>
    %exp3A_195 = math.exp %get3A_194 : vector<64x64xf32>
    %get3A_196 = arith.constant 0 : index
    %get3A_197 = arith.constant 0 : index
    %get3A_198 = vector.load %arg8[%get3A_196, %get3A_197] : memref<64x64xf32, #tpu.memory_space<vmem>>, vector<64x64xf32>
    %exp3A_199 = math.exp %get3A_198 : vector<64x64xf32>
    %get3A_200 = arith.constant 0 : index
    %get3A_201 = arith.constant 0 : index
    %get3A_202 = vector.load %arg7[%get3A_200, %get3A_201] : memref<64x64xf32, #tpu.memory_space<vmem>>, vector<64x64xf32>
    %get3A_203 = arith.constant 0 : index
    %get3A_204 = arith.constant 0 : index
    %get3A_205 = vector.load %arg8[%get3A_203, %get3A_204] : memref<64x64xf32, #tpu.memory_space<vmem>>, vector<64x64xf32>
    %add3A_206 = arith.addf %get3A_202, %get3A_205 : vector<64x64xf32>
    %exp3A_207 = math.exp %add3A_206 : vector<64x64xf32>
    %concatenate3A_208 = tpu.concatenate %exp3A_195, %exp3A_195, %exp3A_195 in 1 : vector<64x64xf32>, vector<64x64xf32>, vector<64x64xf32> -> vector<64x192xf32>
    %concatenate3A_209 = tpu.concatenate %exp3A_199, %exp3A_199, %exp3A_199 in 1 : vector<64x64xf32>, vector<64x64xf32>, vector<64x64xf32> -> vector<64x192xf32>
    %concatenate3A_210 = tpu.concatenate %exp3A_207, %exp3A_207, %exp3A_207 in 1 : vector<64x64xf32>, vector<64x64xf32>, vector<64x64xf32> -> vector<64x192xf32>
    %concatenate3A_211 = tpu.concatenate %concatenate3A_208, %concatenate3A_209, %concatenate3A_210 in 0 : vector<64x192xf32>, vector<64x192xf32>, vector<64x192xf32> -> vector<192x192xf32>
    %mul3A_212 = arith.constant 3.125000e-02 : f32
    %mul3A_213 = vector.broadcast %mul3A_212 : f32 to vector<192x192xf32>
    %mul3A_214 = arith.mulf %mul3A_213, %concatenate3A_211 : vector<192x192xf32>
    %convert_element_type3A_215 = arith.truncf %mul3A_214 : vector<192x192xf32> to vector<192x192xbf16>
    %get3A_216 = arith.constant 0 : index
    %get3A_217 = arith.constant 0 : index
    %get3A_218 = vector.load %arg3[%get3A_216, %get3A_217] : memref<1x64xf32, #tpu.memory_space<vmem>>, vector<1x64xf32>
    %exp3A_219 = math.exp %get3A_218 : vector<1x64xf32>
    %concatenate3A_220 = tpu.concatenate %exp3A_219, %exp3A_219, %exp3A_219 in 1 : vector<1x64xf32>, vector<1x64xf32>, vector<1x64xf32> -> vector<1x192xf32>
    %broadcast_in_dim3A_221 = vector.shape_cast %concatenate3A_220 : vector<1x192xf32> to vector<1x192xf32>
    %broadcast_in_dim3A_222 = vector.broadcast %broadcast_in_dim3A_221 : vector<1x192xf32> to vector<16x192xf32>
    %get3A_223 = arith.constant 0 : index
    %get3A_224 = arith.constant 0 : index
    %get3A_225 = vector.load %arg4[%get3A_223, %get3A_224] : memref<1x64xf32, #tpu.memory_space<vmem>>, vector<1x64xf32>
    %exp3A_226 = math.exp %get3A_225 : vector<1x64xf32>
    %concatenate3A_227 = tpu.concatenate %exp3A_226, %exp3A_226, %exp3A_226 in 1 : vector<1x64xf32>, vector<1x64xf32>, vector<1x64xf32> -> vector<1x192xf32>
    %broadcast_in_dim3A_228 = vector.shape_cast %concatenate3A_227 : vector<1x192xf32> to vector<1x192xf32>
    %broadcast_in_dim3A_229 = vector.broadcast %broadcast_in_dim3A_228 : vector<1x192xf32> to vector<16x192xf32>
    %broadcast_in_dim3A_230 = arith.constant 0.000000e+00 : f32
    %broadcast_in_dim3A_231 = vector.broadcast %broadcast_in_dim3A_230 : f32 to vector<16x1xf32>
    %scan3A = arith.constant 0 : i32
    %scan3A_232 = arith.constant 15 : i32
    %scan3A_233 = arith.addi %scan3A, %scan3A_232 : i32
    %scan3A_234 = arith.constant 1 : i32
    %scan3A_235:4 = scf.for %scan3A_556 = %scan3A to %scan3A_233 step %scan3A_234 iter_args(%scan3A_557 = %broadcast_in_dim3A_222, %scan3A_558 = %broadcast_in_dim3A_229, %scan3A_559 = %broadcast_in_dim3A_231, %scan3A_560 = %broadcast_in_dim3A_231) -> (vector<16x192xf32>, vector<16x192xf32>, vector<16x1xf32>, vector<16x1xf32>)  : i32 {
      %mul3A_561 = arith.constant 16 : i32
      %mul3A_562 = arith.muli %mul3A_561, %scan3A_556 : i32
      %add3A_563 = arith.constant 1 : i32
      %add3A_564 = arith.addi %mul3A_562, %add3A_563 : i32
      %mul3A_565 = arith.constant 16 : i32
      %mul3A_566 = arith.muli %mul3A_565, %scan3A_556 : i32
      %sub3A_567 = arith.constant 511 : i32
      %sub3A_568 = arith.subi %sub3A_567, %mul3A_566 : i32
      %add3A_569 = arith.constant 0 : i32
      %add3A_570 = arith.addi %add3A_564, %add3A_569 : i32
      %get3A_571 = arith.index_cast %add3A_570 : i32 to index
      %get3A_572 = arith.constant 0 : index
      %get3A_573 = arith.constant 0 : index
      %get3A_574 = vector.load %arg10[%get3A_571, %get3A_572, %get3A_573] : memref<512x16x192xbf16, #tpu.memory_space<vmem>>, vector<1x16x192xbf16>
      %reshape3A_575 = vector.shape_cast %get3A_574 : vector<1x16x192xbf16> to vector<16x192xbf16>
      %convert_element_type3A_576 = arith.truncf %scan3A_557 : vector<16x192xf32> to vector<16x192xbf16>
      %mul3A_577 = arith.mulf %convert_element_type3A_576, %reshape3A_575 : vector<16x192xbf16>
      %dot_general3A_578 = arith.constant dense<0.000000e+00> : vector<16x192xf32>
      %dot_general3A_579 = tpu.matmul %mul3A_577, %convert_element_type3A_191, %dot_general3A_578 {dimension_numbers = #tpu.dot_dimension_numbers<[1], [0], [0], [1], [0, 0, 1, 1], [], []>, transpose_lhs_hint = false} : vector<16x192xbf16>, vector<192x192xbf16>, vector<16x192xf32> -> vector<16x192xf32>
      %sub3A_580 = arith.constant 0 : i32
      %sub3A_581 = arith.subi %sub3A_568, %sub3A_580 : i32
      %get3A_582 = arith.index_cast %sub3A_581 : i32 to index
      %get3A_583 = arith.constant 0 : index
      %get3A_584 = arith.constant 0 : index
      %get3A_585 = vector.load %arg11[%get3A_582, %get3A_583, %get3A_584] : memref<512x16x192xbf16, #tpu.memory_space<vmem>>, vector<1x16x192xbf16>
      %reshape3A_586 = vector.shape_cast %get3A_585 : vector<1x16x192xbf16> to vector<16x192xbf16>
      %convert_element_type3A_587 = arith.truncf %scan3A_558 : vector<16x192xf32> to vector<16x192xbf16>
      %mul3A_588 = arith.mulf %convert_element_type3A_587, %reshape3A_586 : vector<16x192xbf16>
      %dot_general3A_589 = arith.constant dense<0.000000e+00> : vector<16x192xf32>
      %dot_general3A_590 = tpu.matmul %mul3A_588, %convert_element_type3A_215, %dot_general3A_589 {dimension_numbers = #tpu.dot_dimension_numbers<[1], [0], [0], [1], [0, 0, 1, 1], [], []>, transpose_lhs_hint = false} : vector<16x192xbf16>, vector<192x192xbf16>, vector<16x192xf32> -> vector<16x192xf32>
      %add3A_591 = arith.constant 1 : i32
      %add3A_592 = arith.addi %add3A_564, %add3A_591 : i32
      %get3A_593 = arith.index_cast %add3A_592 : i32 to index
      %get3A_594 = arith.constant 0 : index
      %get3A_595 = arith.constant 0 : index
      %get3A_596 = vector.load %arg10[%get3A_593, %get3A_594, %get3A_595] : memref<512x16x192xbf16, #tpu.memory_space<vmem>>, vector<1x16x192xbf16>
      %reshape3A_597 = vector.shape_cast %get3A_596 : vector<1x16x192xbf16> to vector<16x192xbf16>
      %convert_element_type3A_598 = arith.truncf %dot_general3A_579 : vector<16x192xf32> to vector<16x192xbf16>
      %mul3A_599 = arith.mulf %convert_element_type3A_598, %reshape3A_597 : vector<16x192xbf16>
      %dot_general3A_600 = arith.constant dense<0.000000e+00> : vector<16x192xf32>
      %dot_general3A_601 = tpu.matmul %mul3A_599, %convert_element_type3A_191, %dot_general3A_600 {dimension_numbers = #tpu.dot_dimension_numbers<[1], [0], [0], [1], [0, 0, 1, 1], [], []>, transpose_lhs_hint = false} : vector<16x192xbf16>, vector<192x192xbf16>, vector<16x192xf32> -> vector<16x192xf32>
      %sub3A_602 = arith.constant 1 : i32
      %sub3A_603 = arith.subi %sub3A_568, %sub3A_602 : i32
      %get3A_604 = arith.index_cast %sub3A_603 : i32 to index
      %get3A_605 = arith.constant 0 : index
      %get3A_606 = arith.constant 0 : index
      %get3A_607 = vector.load %arg11[%get3A_604, %get3A_605, %get3A_606] : memref<512x16x192xbf16, #tpu.memory_space<vmem>>, vector<1x16x192xbf16>
      %reshape3A_608 = vector.shape_cast %get3A_607 : vector<1x16x192xbf16> to vector<16x192xbf16>
      %convert_element_type3A_609 = arith.truncf %dot_general3A_590 : vector<16x192xf32> to vector<16x192xbf16>
      %mul3A_610 = arith.mulf %convert_element_type3A_609, %reshape3A_608 : vector<16x192xbf16>
      %dot_general3A_611 = arith.constant dense<0.000000e+00> : vector<16x192xf32>
      %dot_general3A_612 = tpu.matmul %mul3A_610, %convert_element_type3A_215, %dot_general3A_611 {dimension_numbers = #tpu.dot_dimension_numbers<[1], [0], [0], [1], [0, 0, 1, 1], [], []>, transpose_lhs_hint = false} : vector<16x192xbf16>, vector<192x192xbf16>, vector<16x192xf32> -> vector<16x192xf32>
      %add3A_613 = arith.constant 2 : i32
      %add3A_614 = arith.addi %add3A_564, %add3A_613 : i32
      %get3A_615 = arith.index_cast %add3A_614 : i32 to index
      %get3A_616 = arith.constant 0 : index
      %get3A_617 = arith.constant 0 : index
      %get3A_618 = vector.load %arg10[%get3A_615, %get3A_616, %get3A_617] : memref<512x16x192xbf16, #tpu.memory_space<vmem>>, vector<1x16x192xbf16>
      %reshape3A_619 = vector.shape_cast %get3A_618 : vector<1x16x192xbf16> to vector<16x192xbf16>
      %convert_element_type3A_620 = arith.truncf %dot_general3A_601 : vector<16x192xf32> to vector<16x192xbf16>
      %mul3A_621 = arith.mulf %convert_element_type3A_620, %reshape3A_619 : vector<16x192xbf16>
      %dot_general3A_622 = arith.constant dense<0.000000e+00> : vector<16x192xf32>
      %dot_general3A_623 = tpu.matmul %mul3A_621, %convert_element_type3A_191, %dot_general3A_622 {dimension_numbers = #tpu.dot_dimension_numbers<[1], [0], [0], [1], [0, 0, 1, 1], [], []>, transpose_lhs_hint = false} : vector<16x192xbf16>, vector<192x192xbf16>, vector<16x192xf32> -> vector<16x192xf32>
      %sub3A_624 = arith.constant 2 : i32
      %sub3A_625 = arith.subi %sub3A_568, %sub3A_624 : i32
      %get3A_626 = arith.index_cast %sub3A_625 : i32 to index
      %get3A_627 = arith.constant 0 : index
      %get3A_628 = arith.constant 0 : index
      %get3A_629 = vector.load %arg11[%get3A_626, %get3A_627, %get3A_628] : memref<512x16x192xbf16, #tpu.memory_space<vmem>>, vector<1x16x192xbf16>
      %reshape3A_630 = vector.shape_cast %get3A_629 : vector<1x16x192xbf16> to vector<16x192xbf16>
      %convert_element_type3A_631 = arith.truncf %dot_general3A_612 : vector<16x192xf32> to vector<16x192xbf16>
      %mul3A_632 = arith.mulf %convert_element_type3A_631, %reshape3A_630 : vector<16x192xbf16>
      %dot_general3A_633 = arith.constant dense<0.000000e+00> : vector<16x192xf32>
      %dot_general3A_634 = tpu.matmul %mul3A_632, %convert_element_type3A_215, %dot_general3A_633 {dimension_numbers = #tpu.dot_dimension_numbers<[1], [0], [0], [1], [0, 0, 1, 1], [], []>, transpose_lhs_hint = false} : vector<16x192xbf16>, vector<192x192xbf16>, vector<16x192xf32> -> vector<16x192xf32>
      %add3A_635 = arith.constant 3 : i32
      %add3A_636 = arith.addi %add3A_564, %add3A_635 : i32
      %get3A_637 = arith.index_cast %add3A_636 : i32 to index
      %get3A_638 = arith.constant 0 : index
      %get3A_639 = arith.constant 0 : index
      %get3A_640 = vector.load %arg10[%get3A_637, %get3A_638, %get3A_639] : memref<512x16x192xbf16, #tpu.memory_space<vmem>>, vector<1x16x192xbf16>
      %reshape3A_641 = vector.shape_cast %get3A_640 : vector<1x16x192xbf16> to vector<16x192xbf16>
      %convert_element_type3A_642 = arith.truncf %dot_general3A_623 : vector<16x192xf32> to vector<16x192xbf16>
      %mul3A_643 = arith.mulf %convert_element_type3A_642, %reshape3A_641 : vector<16x192xbf16>
      %dot_general3A_644 = arith.constant dense<0.000000e+00> : vector<16x192xf32>
      %dot_general3A_645 = tpu.matmul %mul3A_643, %convert_element_type3A_191, %dot_general3A_644 {dimension_numbers = #tpu.dot_dimension_numbers<[1], [0], [0], [1], [0, 0, 1, 1], [], []>, transpose_lhs_hint = false} : vector<16x192xbf16>, vector<192x192xbf16>, vector<16x192xf32> -> vector<16x192xf32>
      %sub3A_646 = arith.constant 3 : i32
      %sub3A_647 = arith.subi %sub3A_568, %sub3A_646 : i32
      %get3A_648 = arith.index_cast %sub3A_647 : i32 to index
      %get3A_649 = arith.constant 0 : index
      %get3A_650 = arith.constant 0 : index
      %get3A_651 = vector.load %arg11[%get3A_648, %get3A_649, %get3A_650] : memref<512x16x192xbf16, #tpu.memory_space<vmem>>, vector<1x16x192xbf16>
      %reshape3A_652 = vector.shape_cast %get3A_651 : vector<1x16x192xbf16> to vector<16x192xbf16>
      %convert_element_type3A_653 = arith.truncf %dot_general3A_634 : vector<16x192xf32> to vector<16x192xbf16>
      %mul3A_654 = arith.mulf %convert_element_type3A_653, %reshape3A_652 : vector<16x192xbf16>
      %dot_general3A_655 = arith.constant dense<0.000000e+00> : vector<16x192xf32>
      %dot_general3A_656 = tpu.matmul %mul3A_654, %convert_element_type3A_215, %dot_general3A_655 {dimension_numbers = #tpu.dot_dimension_numbers<[1], [0], [0], [1], [0, 0, 1, 1], [], []>, transpose_lhs_hint = false} : vector<16x192xbf16>, vector<192x192xbf16>, vector<16x192xf32> -> vector<16x192xf32>
      %add3A_657 = arith.constant 4 : i32
      %add3A_658 = arith.addi %add3A_564, %add3A_657 : i32
      %get3A_659 = arith.index_cast %add3A_658 : i32 to index
      %get3A_660 = arith.constant 0 : index
      %get3A_661 = arith.constant 0 : index
      %get3A_662 = vector.load %arg10[%get3A_659, %get3A_660, %get3A_661] : memref<512x16x192xbf16, #tpu.memory_space<vmem>>, vector<1x16x192xbf16>
      %reshape3A_663 = vector.shape_cast %get3A_662 : vector<1x16x192xbf16> to vector<16x192xbf16>
      %convert_element_type3A_664 = arith.truncf %dot_general3A_645 : vector<16x192xf32> to vector<16x192xbf16>
      %mul3A_665 = arith.mulf %convert_element_type3A_664, %reshape3A_663 : vector<16x192xbf16>
      %dot_general3A_666 = arith.constant dense<0.000000e+00> : vector<16x192xf32>
      %dot_general3A_667 = tpu.matmul %mul3A_665, %convert_element_type3A_191, %dot_general3A_666 {dimension_numbers = #tpu.dot_dimension_numbers<[1], [0], [0], [1], [0, 0, 1, 1], [], []>, transpose_lhs_hint = false} : vector<16x192xbf16>, vector<192x192xbf16>, vector<16x192xf32> -> vector<16x192xf32>
      %sub3A_668 = arith.constant 4 : i32
      %sub3A_669 = arith.subi %sub3A_568, %sub3A_668 : i32
      %get3A_670 = arith.index_cast %sub3A_669 : i32 to index
      %get3A_671 = arith.constant 0 : index
      %get3A_672 = arith.constant 0 : index
      %get3A_673 = vector.load %arg11[%get3A_670, %get3A_671, %get3A_672] : memref<512x16x192xbf16, #tpu.memory_space<vmem>>, vector<1x16x192xbf16>
      %reshape3A_674 = vector.shape_cast %get3A_673 : vector<1x16x192xbf16> to vector<16x192xbf16>
      %convert_element_type3A_675 = arith.truncf %dot_general3A_656 : vector<16x192xf32> to vector<16x192xbf16>
      %mul3A_676 = arith.mulf %convert_element_type3A_675, %reshape3A_674 : vector<16x192xbf16>
      %dot_general3A_677 = arith.constant dense<0.000000e+00> : vector<16x192xf32>
      %dot_general3A_678 = tpu.matmul %mul3A_676, %convert_element_type3A_215, %dot_general3A_677 {dimension_numbers = #tpu.dot_dimension_numbers<[1], [0], [0], [1], [0, 0, 1, 1], [], []>, transpose_lhs_hint = false} : vector<16x192xbf16>, vector<192x192xbf16>, vector<16x192xf32> -> vector<16x192xf32>
      %add3A_679 = arith.constant 5 : i32
      %add3A_680 = arith.addi %add3A_564, %add3A_679 : i32
      %get3A_681 = arith.index_cast %add3A_680 : i32 to index
      %get3A_682 = arith.constant 0 : index
      %get3A_683 = arith.constant 0 : index
      %get3A_684 = vector.load %arg10[%get3A_681, %get3A_682, %get3A_683] : memref<512x16x192xbf16, #tpu.memory_space<vmem>>, vector<1x16x192xbf16>
      %reshape3A_685 = vector.shape_cast %get3A_684 : vector<1x16x192xbf16> to vector<16x192xbf16>
      %convert_element_type3A_686 = arith.truncf %dot_general3A_667 : vector<16x192xf32> to vector<16x192xbf16>
      %mul3A_687 = arith.mulf %convert_element_type3A_686, %reshape3A_685 : vector<16x192xbf16>
      %dot_general3A_688 = arith.constant dense<0.000000e+00> : vector<16x192xf32>
      %dot_general3A_689 = tpu.matmul %mul3A_687, %convert_element_type3A_191, %dot_general3A_688 {dimension_numbers = #tpu.dot_dimension_numbers<[1], [0], [0], [1], [0, 0, 1, 1], [], []>, transpose_lhs_hint = false} : vector<16x192xbf16>, vector<192x192xbf16>, vector<16x192xf32> -> vector<16x192xf32>
      %sub3A_690 = arith.constant 5 : i32
      %sub3A_691 = arith.subi %sub3A_568, %sub3A_690 : i32
      %get3A_692 = arith.index_cast %sub3A_691 : i32 to index
      %get3A_693 = arith.constant 0 : index
      %get3A_694 = arith.constant 0 : index
      %get3A_695 = vector.load %arg11[%get3A_692, %get3A_693, %get3A_694] : memref<512x16x192xbf16, #tpu.memory_space<vmem>>, vector<1x16x192xbf16>
      %reshape3A_696 = vector.shape_cast %get3A_695 : vector<1x16x192xbf16> to vector<16x192xbf16>
      %convert_element_type3A_697 = arith.truncf %dot_general3A_678 : vector<16x192xf32> to vector<16x192xbf16>
      %mul3A_698 = arith.mulf %convert_element_type3A_697, %reshape3A_696 : vector<16x192xbf16>
      %dot_general3A_699 = arith.constant dense<0.000000e+00> : vector<16x192xf32>
      %dot_general3A_700 = tpu.matmul %mul3A_698, %convert_element_type3A_215, %dot_general3A_699 {dimension_numbers = #tpu.dot_dimension_numbers<[1], [0], [0], [1], [0, 0, 1, 1], [], []>, transpose_lhs_hint = false} : vector<16x192xbf16>, vector<192x192xbf16>, vector<16x192xf32> -> vector<16x192xf32>
      %add3A_701 = arith.constant 6 : i32
      %add3A_702 = arith.addi %add3A_564, %add3A_701 : i32
      %get3A_703 = arith.index_cast %add3A_702 : i32 to index
      %get3A_704 = arith.constant 0 : index
      %get3A_705 = arith.constant 0 : index
      %get3A_706 = vector.load %arg10[%get3A_703, %get3A_704, %get3A_705] : memref<512x16x192xbf16, #tpu.memory_space<vmem>>, vector<1x16x192xbf16>
      %reshape3A_707 = vector.shape_cast %get3A_706 : vector<1x16x192xbf16> to vector<16x192xbf16>
      %convert_element_type3A_708 = arith.truncf %dot_general3A_689 : vector<16x192xf32> to vector<16x192xbf16>
      %mul3A_709 = arith.mulf %convert_element_type3A_708, %reshape3A_707 : vector<16x192xbf16>
      %dot_general3A_710 = arith.constant dense<0.000000e+00> : vector<16x192xf32>
      %dot_general3A_711 = tpu.matmul %mul3A_709, %convert_element_type3A_191, %dot_general3A_710 {dimension_numbers = #tpu.dot_dimension_numbers<[1], [0], [0], [1], [0, 0, 1, 1], [], []>, transpose_lhs_hint = false} : vector<16x192xbf16>, vector<192x192xbf16>, vector<16x192xf32> -> vector<16x192xf32>
      %sub3A_712 = arith.constant 6 : i32
      %sub3A_713 = arith.subi %sub3A_568, %sub3A_712 : i32
      %get3A_714 = arith.index_cast %sub3A_713 : i32 to index
      %get3A_715 = arith.constant 0 : index
      %get3A_716 = arith.constant 0 : index
      %get3A_717 = vector.load %arg11[%get3A_714, %get3A_715, %get3A_716] : memref<512x16x192xbf16, #tpu.memory_space<vmem>>, vector<1x16x192xbf16>
      %reshape3A_718 = vector.shape_cast %get3A_717 : vector<1x16x192xbf16> to vector<16x192xbf16>
      %convert_element_type3A_719 = arith.truncf %dot_general3A_700 : vector<16x192xf32> to vector<16x192xbf16>
      %mul3A_720 = arith.mulf %convert_element_type3A_719, %reshape3A_718 : vector<16x192xbf16>
      %dot_general3A_721 = arith.constant dense<0.000000e+00> : vector<16x192xf32>
      %dot_general3A_722 = tpu.matmul %mul3A_720, %convert_element_type3A_215, %dot_general3A_721 {dimension_numbers = #tpu.dot_dimension_numbers<[1], [0], [0], [1], [0, 0, 1, 1], [], []>, transpose_lhs_hint = false} : vector<16x192xbf16>, vector<192x192xbf16>, vector<16x192xf32> -> vector<16x192xf32>
      %add3A_723 = arith.constant 7 : i32
      %add3A_724 = arith.addi %add3A_564, %add3A_723 : i32
      %get3A_725 = arith.index_cast %add3A_724 : i32 to index
      %get3A_726 = arith.constant 0 : index
      %get3A_727 = arith.constant 0 : index
      %get3A_728 = vector.load %arg10[%get3A_725, %get3A_726, %get3A_727] : memref<512x16x192xbf16, #tpu.memory_space<vmem>>, vector<1x16x192xbf16>
      %reshape3A_729 = vector.shape_cast %get3A_728 : vector<1x16x192xbf16> to vector<16x192xbf16>
      %convert_element_type3A_730 = arith.truncf %dot_general3A_711 : vector<16x192xf32> to vector<16x192xbf16>
      %mul3A_731 = arith.mulf %convert_element_type3A_730, %reshape3A_729 : vector<16x192xbf16>
      %dot_general3A_732 = arith.constant dense<0.000000e+00> : vector<16x192xf32>
      %dot_general3A_733 = tpu.matmul %mul3A_731, %convert_element_type3A_191, %dot_general3A_732 {dimension_numbers = #tpu.dot_dimension_numbers<[1], [0], [0], [1], [0, 0, 1, 1], [], []>, transpose_lhs_hint = false} : vector<16x192xbf16>, vector<192x192xbf16>, vector<16x192xf32> -> vector<16x192xf32>
      %sub3A_734 = arith.constant 7 : i32
      %sub3A_735 = arith.subi %sub3A_568, %sub3A_734 : i32
      %get3A_736 = arith.index_cast %sub3A_735 : i32 to index
      %get3A_737 = arith.constant 0 : index
      %get3A_738 = arith.constant 0 : index
      %get3A_739 = vector.load %arg11[%get3A_736, %get3A_737, %get3A_738] : memref<512x16x192xbf16, #tpu.memory_space<vmem>>, vector<1x16x192xbf16>
      %reshape3A_740 = vector.shape_cast %get3A_739 : vector<1x16x192xbf16> to vector<16x192xbf16>
      %convert_element_type3A_741 = arith.truncf %dot_general3A_722 : vector<16x192xf32> to vector<16x192xbf16>
      %mul3A_742 = arith.mulf %convert_element_type3A_741, %reshape3A_740 : vector<16x192xbf16>
      %dot_general3A_743 = arith.constant dense<0.000000e+00> : vector<16x192xf32>
      %dot_general3A_744 = tpu.matmul %mul3A_742, %convert_element_type3A_215, %dot_general3A_743 {dimension_numbers = #tpu.dot_dimension_numbers<[1], [0], [0], [1], [0, 0, 1, 1], [], []>, transpose_lhs_hint = false} : vector<16x192xbf16>, vector<192x192xbf16>, vector<16x192xf32> -> vector<16x192xf32>
      %add3A_745 = arith.constant 8 : i32
      %add3A_746 = arith.addi %add3A_564, %add3A_745 : i32
      %get3A_747 = arith.index_cast %add3A_746 : i32 to index
      %get3A_748 = arith.constant 0 : index
      %get3A_749 = arith.constant 0 : index
      %get3A_750 = vector.load %arg10[%get3A_747, %get3A_748, %get3A_749] : memref<512x16x192xbf16, #tpu.memory_space<vmem>>, vector<1x16x192xbf16>
      %reshape3A_751 = vector.shape_cast %get3A_750 : vector<1x16x192xbf16> to vector<16x192xbf16>
      %convert_element_type3A_752 = arith.truncf %dot_general3A_733 : vector<16x192xf32> to vector<16x192xbf16>
      %mul3A_753 = arith.mulf %convert_element_type3A_752, %reshape3A_751 : vector<16x192xbf16>
      %dot_general3A_754 = arith.constant dense<0.000000e+00> : vector<16x192xf32>
      %dot_general3A_755 = tpu.matmul %mul3A_753, %convert_element_type3A_191, %dot_general3A_754 {dimension_numbers = #tpu.dot_dimension_numbers<[1], [0], [0], [1], [0, 0, 1, 1], [], []>, transpose_lhs_hint = false} : vector<16x192xbf16>, vector<192x192xbf16>, vector<16x192xf32> -> vector<16x192xf32>
      %sub3A_756 = arith.constant 8 : i32
      %sub3A_757 = arith.subi %sub3A_568, %sub3A_756 : i32
      %get3A_758 = arith.index_cast %sub3A_757 : i32 to index
      %get3A_759 = arith.constant 0 : index
      %get3A_760 = arith.constant 0 : index
      %get3A_761 = vector.load %arg11[%get3A_758, %get3A_759, %get3A_760] : memref<512x16x192xbf16, #tpu.memory_space<vmem>>, vector<1x16x192xbf16>
      %reshape3A_762 = vector.shape_cast %get3A_761 : vector<1x16x192xbf16> to vector<16x192xbf16>
      %convert_element_type3A_763 = arith.truncf %dot_general3A_744 : vector<16x192xf32> to vector<16x192xbf16>
      %mul3A_764 = arith.mulf %convert_element_type3A_763, %reshape3A_762 : vector<16x192xbf16>
      %dot_general3A_765 = arith.constant dense<0.000000e+00> : vector<16x192xf32>
      %dot_general3A_766 = tpu.matmul %mul3A_764, %convert_element_type3A_215, %dot_general3A_765 {dimension_numbers = #tpu.dot_dimension_numbers<[1], [0], [0], [1], [0, 0, 1, 1], [], []>, transpose_lhs_hint = false} : vector<16x192xbf16>, vector<192x192xbf16>, vector<16x192xf32> -> vector<16x192xf32>
      %add3A_767 = arith.constant 9 : i32
      %add3A_768 = arith.addi %add3A_564, %add3A_767 : i32
      %get3A_769 = arith.index_cast %add3A_768 : i32 to index
      %get3A_770 = arith.constant 0 : index
      %get3A_771 = arith.constant 0 : index
      %get3A_772 = vector.load %arg10[%get3A_769, %get3A_770, %get3A_771] : memref<512x16x192xbf16, #tpu.memory_space<vmem>>, vector<1x16x192xbf16>
      %reshape3A_773 = vector.shape_cast %get3A_772 : vector<1x16x192xbf16> to vector<16x192xbf16>
      %convert_element_type3A_774 = arith.truncf %dot_general3A_755 : vector<16x192xf32> to vector<16x192xbf16>
      %mul3A_775 = arith.mulf %convert_element_type3A_774, %reshape3A_773 : vector<16x192xbf16>
      %dot_general3A_776 = arith.constant dense<0.000000e+00> : vector<16x192xf32>
      %dot_general3A_777 = tpu.matmul %mul3A_775, %convert_element_type3A_191, %dot_general3A_776 {dimension_numbers = #tpu.dot_dimension_numbers<[1], [0], [0], [1], [0, 0, 1, 1], [], []>, transpose_lhs_hint = false} : vector<16x192xbf16>, vector<192x192xbf16>, vector<16x192xf32> -> vector<16x192xf32>
      %sub3A_778 = arith.constant 9 : i32
      %sub3A_779 = arith.subi %sub3A_568, %sub3A_778 : i32
      %get3A_780 = arith.index_cast %sub3A_779 : i32 to index
      %get3A_781 = arith.constant 0 : index
      %get3A_782 = arith.constant 0 : index
      %get3A_783 = vector.load %arg11[%get3A_780, %get3A_781, %get3A_782] : memref<512x16x192xbf16, #tpu.memory_space<vmem>>, vector<1x16x192xbf16>
      %reshape3A_784 = vector.shape_cast %get3A_783 : vector<1x16x192xbf16> to vector<16x192xbf16>
      %convert_element_type3A_785 = arith.truncf %dot_general3A_766 : vector<16x192xf32> to vector<16x192xbf16>
      %mul3A_786 = arith.mulf %convert_element_type3A_785, %reshape3A_784 : vector<16x192xbf16>
      %dot_general3A_787 = arith.constant dense<0.000000e+00> : vector<16x192xf32>
      %dot_general3A_788 = tpu.matmul %mul3A_786, %convert_element_type3A_215, %dot_general3A_787 {dimension_numbers = #tpu.dot_dimension_numbers<[1], [0], [0], [1], [0, 0, 1, 1], [], []>, transpose_lhs_hint = false} : vector<16x192xbf16>, vector<192x192xbf16>, vector<16x192xf32> -> vector<16x192xf32>
      %add3A_789 = arith.constant 10 : i32
      %add3A_790 = arith.addi %add3A_564, %add3A_789 : i32
      %get3A_791 = arith.index_cast %add3A_790 : i32 to index
      %get3A_792 = arith.constant 0 : index
      %get3A_793 = arith.constant 0 : index
      %get3A_794 = vector.load %arg10[%get3A_791, %get3A_792, %get3A_793] : memref<512x16x192xbf16, #tpu.memory_space<vmem>>, vector<1x16x192xbf16>
      %reshape3A_795 = vector.shape_cast %get3A_794 : vector<1x16x192xbf16> to vector<16x192xbf16>
      %convert_element_type3A_796 = arith.truncf %dot_general3A_777 : vector<16x192xf32> to vector<16x192xbf16>
      %mul3A_797 = arith.mulf %convert_element_type3A_796, %reshape3A_795 : vector<16x192xbf16>
      %dot_general3A_798 = arith.constant dense<0.000000e+00> : vector<16x192xf32>
      %dot_general3A_799 = tpu.matmul %mul3A_797, %convert_element_type3A_191, %dot_general3A_798 {dimension_numbers = #tpu.dot_dimension_numbers<[1], [0], [0], [1], [0, 0, 1, 1], [], []>, transpose_lhs_hint = false} : vector<16x192xbf16>, vector<192x192xbf16>, vector<16x192xf32> -> vector<16x192xf32>
      %sub3A_800 = arith.constant 10 : i32
      %sub3A_801 = arith.subi %sub3A_568, %sub3A_800 : i32
      %get3A_802 = arith.index_cast %sub3A_801 : i32 to index
      %get3A_803 = arith.constant 0 : index
      %get3A_804 = arith.constant 0 : index
      %get3A_805 = vector.load %arg11[%get3A_802, %get3A_803, %get3A_804] : memref<512x16x192xbf16, #tpu.memory_space<vmem>>, vector<1x16x192xbf16>
      %reshape3A_806 = vector.shape_cast %get3A_805 : vector<1x16x192xbf16> to vector<16x192xbf16>
      %convert_element_type3A_807 = arith.truncf %dot_general3A_788 : vector<16x192xf32> to vector<16x192xbf16>
      %mul3A_808 = arith.mulf %convert_element_type3A_807, %reshape3A_806 : vector<16x192xbf16>
      %dot_general3A_809 = arith.constant dense<0.000000e+00> : vector<16x192xf32>
      %dot_general3A_810 = tpu.matmul %mul3A_808, %convert_element_type3A_215, %dot_general3A_809 {dimension_numbers = #tpu.dot_dimension_numbers<[1], [0], [0], [1], [0, 0, 1, 1], [], []>, transpose_lhs_hint = false} : vector<16x192xbf16>, vector<192x192xbf16>, vector<16x192xf32> -> vector<16x192xf32>
      %add3A_811 = arith.constant 11 : i32
      %add3A_812 = arith.addi %add3A_564, %add3A_811 : i32
      %get3A_813 = arith.index_cast %add3A_812 : i32 to index
      %get3A_814 = arith.constant 0 : index
      %get3A_815 = arith.constant 0 : index
      %get3A_816 = vector.load %arg10[%get3A_813, %get3A_814, %get3A_815] : memref<512x16x192xbf16, #tpu.memory_space<vmem>>, vector<1x16x192xbf16>
      %reshape3A_817 = vector.shape_cast %get3A_816 : vector<1x16x192xbf16> to vector<16x192xbf16>
      %convert_element_type3A_818 = arith.truncf %dot_general3A_799 : vector<16x192xf32> to vector<16x192xbf16>
      %mul3A_819 = arith.mulf %convert_element_type3A_818, %reshape3A_817 : vector<16x192xbf16>
      %dot_general3A_820 = arith.constant dense<0.000000e+00> : vector<16x192xf32>
      %dot_general3A_821 = tpu.matmul %mul3A_819, %convert_element_type3A_191, %dot_general3A_820 {dimension_numbers = #tpu.dot_dimension_numbers<[1], [0], [0], [1], [0, 0, 1, 1], [], []>, transpose_lhs_hint = false} : vector<16x192xbf16>, vector<192x192xbf16>, vector<16x192xf32> -> vector<16x192xf32>
      %sub3A_822 = arith.constant 11 : i32
      %sub3A_823 = arith.subi %sub3A_568, %sub3A_822 : i32
      %get3A_824 = arith.index_cast %sub3A_823 : i32 to index
      %get3A_825 = arith.constant 0 : index
      %get3A_826 = arith.constant 0 : index
      %get3A_827 = vector.load %arg11[%get3A_824, %get3A_825, %get3A_826] : memref<512x16x192xbf16, #tpu.memory_space<vmem>>, vector<1x16x192xbf16>
      %reshape3A_828 = vector.shape_cast %get3A_827 : vector<1x16x192xbf16> to vector<16x192xbf16>
      %convert_element_type3A_829 = arith.truncf %dot_general3A_810 : vector<16x192xf32> to vector<16x192xbf16>
      %mul3A_830 = arith.mulf %convert_element_type3A_829, %reshape3A_828 : vector<16x192xbf16>
      %dot_general3A_831 = arith.constant dense<0.000000e+00> : vector<16x192xf32>
      %dot_general3A_832 = tpu.matmul %mul3A_830, %convert_element_type3A_215, %dot_general3A_831 {dimension_numbers = #tpu.dot_dimension_numbers<[1], [0], [0], [1], [0, 0, 1, 1], [], []>, transpose_lhs_hint = false} : vector<16x192xbf16>, vector<192x192xbf16>, vector<16x192xf32> -> vector<16x192xf32>
      %add3A_833 = arith.constant 12 : i32
      %add3A_834 = arith.addi %add3A_564, %add3A_833 : i32
      %get3A_835 = arith.index_cast %add3A_834 : i32 to index
      %get3A_836 = arith.constant 0 : index
      %get3A_837 = arith.constant 0 : index
      %get3A_838 = vector.load %arg10[%get3A_835, %get3A_836, %get3A_837] : memref<512x16x192xbf16, #tpu.memory_space<vmem>>, vector<1x16x192xbf16>
      %reshape3A_839 = vector.shape_cast %get3A_838 : vector<1x16x192xbf16> to vector<16x192xbf16>
      %convert_element_type3A_840 = arith.truncf %dot_general3A_821 : vector<16x192xf32> to vector<16x192xbf16>
      %mul3A_841 = arith.mulf %convert_element_type3A_840, %reshape3A_839 : vector<16x192xbf16>
      %dot_general3A_842 = arith.constant dense<0.000000e+00> : vector<16x192xf32>
      %dot_general3A_843 = tpu.matmul %mul3A_841, %convert_element_type3A_191, %dot_general3A_842 {dimension_numbers = #tpu.dot_dimension_numbers<[1], [0], [0], [1], [0, 0, 1, 1], [], []>, transpose_lhs_hint = false} : vector<16x192xbf16>, vector<192x192xbf16>, vector<16x192xf32> -> vector<16x192xf32>
      %sub3A_844 = arith.constant 12 : i32
      %sub3A_845 = arith.subi %sub3A_568, %sub3A_844 : i32
      %get3A_846 = arith.index_cast %sub3A_845 : i32 to index
      %get3A_847 = arith.constant 0 : index
      %get3A_848 = arith.constant 0 : index
      %get3A_849 = vector.load %arg11[%get3A_846, %get3A_847, %get3A_848] : memref<512x16x192xbf16, #tpu.memory_space<vmem>>, vector<1x16x192xbf16>
      %reshape3A_850 = vector.shape_cast %get3A_849 : vector<1x16x192xbf16> to vector<16x192xbf16>
      %convert_element_type3A_851 = arith.truncf %dot_general3A_832 : vector<16x192xf32> to vector<16x192xbf16>
      %mul3A_852 = arith.mulf %convert_element_type3A_851, %reshape3A_850 : vector<16x192xbf16>
      %dot_general3A_853 = arith.constant dense<0.000000e+00> : vector<16x192xf32>
      %dot_general3A_854 = tpu.matmul %mul3A_852, %convert_element_type3A_215, %dot_general3A_853 {dimension_numbers = #tpu.dot_dimension_numbers<[1], [0], [0], [1], [0, 0, 1, 1], [], []>, transpose_lhs_hint = false} : vector<16x192xbf16>, vector<192x192xbf16>, vector<16x192xf32> -> vector<16x192xf32>
      %add3A_855 = arith.constant 13 : i32
      %add3A_856 = arith.addi %add3A_564, %add3A_855 : i32
      %get3A_857 = arith.index_cast %add3A_856 : i32 to index
      %get3A_858 = arith.constant 0 : index
      %get3A_859 = arith.constant 0 : index
      %get3A_860 = vector.load %arg10[%get3A_857, %get3A_858, %get3A_859] : memref<512x16x192xbf16, #tpu.memory_space<vmem>>, vector<1x16x192xbf16>
      %reshape3A_861 = vector.shape_cast %get3A_860 : vector<1x16x192xbf16> to vector<16x192xbf16>
      %convert_element_type3A_862 = arith.truncf %dot_general3A_843 : vector<16x192xf32> to vector<16x192xbf16>
      %mul3A_863 = arith.mulf %convert_element_type3A_862, %reshape3A_861 : vector<16x192xbf16>
      %dot_general3A_864 = arith.constant dense<0.000000e+00> : vector<16x192xf32>
      %dot_general3A_865 = tpu.matmul %mul3A_863, %convert_element_type3A_191, %dot_general3A_864 {dimension_numbers = #tpu.dot_dimension_numbers<[1], [0], [0], [1], [0, 0, 1, 1], [], []>, transpose_lhs_hint = false} : vector<16x192xbf16>, vector<192x192xbf16>, vector<16x192xf32> -> vector<16x192xf32>
      %sub3A_866 = arith.constant 13 : i32
      %sub3A_867 = arith.subi %sub3A_568, %sub3A_866 : i32
      %get3A_868 = arith.index_cast %sub3A_867 : i32 to index
      %get3A_869 = arith.constant 0 : index
      %get3A_870 = arith.constant 0 : index
      %get3A_871 = vector.load %arg11[%get3A_868, %get3A_869, %get3A_870] : memref<512x16x192xbf16, #tpu.memory_space<vmem>>, vector<1x16x192xbf16>
      %reshape3A_872 = vector.shape_cast %get3A_871 : vector<1x16x192xbf16> to vector<16x192xbf16>
      %convert_element_type3A_873 = arith.truncf %dot_general3A_854 : vector<16x192xf32> to vector<16x192xbf16>
      %mul3A_874 = arith.mulf %convert_element_type3A_873, %reshape3A_872 : vector<16x192xbf16>
      %dot_general3A_875 = arith.constant dense<0.000000e+00> : vector<16x192xf32>
      %dot_general3A_876 = tpu.matmul %mul3A_874, %convert_element_type3A_215, %dot_general3A_875 {dimension_numbers = #tpu.dot_dimension_numbers<[1], [0], [0], [1], [0, 0, 1, 1], [], []>, transpose_lhs_hint = false} : vector<16x192xbf16>, vector<192x192xbf16>, vector<16x192xf32> -> vector<16x192xf32>
      %add3A_877 = arith.constant 14 : i32
      %add3A_878 = arith.addi %add3A_564, %add3A_877 : i32
      %get3A_879 = arith.index_cast %add3A_878 : i32 to index
      %get3A_880 = arith.constant 0 : index
      %get3A_881 = arith.constant 0 : index
      %get3A_882 = vector.load %arg10[%get3A_879, %get3A_880, %get3A_881] : memref<512x16x192xbf16, #tpu.memory_space<vmem>>, vector<1x16x192xbf16>
      %reshape3A_883 = vector.shape_cast %get3A_882 : vector<1x16x192xbf16> to vector<16x192xbf16>
      %convert_element_type3A_884 = arith.truncf %dot_general3A_865 : vector<16x192xf32> to vector<16x192xbf16>
      %mul3A_885 = arith.mulf %convert_element_type3A_884, %reshape3A_883 : vector<16x192xbf16>
      %dot_general3A_886 = arith.constant dense<0.000000e+00> : vector<16x192xf32>
      %dot_general3A_887 = tpu.matmul %mul3A_885, %convert_element_type3A_191, %dot_general3A_886 {dimension_numbers = #tpu.dot_dimension_numbers<[1], [0], [0], [1], [0, 0, 1, 1], [], []>, transpose_lhs_hint = false} : vector<16x192xbf16>, vector<192x192xbf16>, vector<16x192xf32> -> vector<16x192xf32>
      %sub3A_888 = arith.constant 14 : i32
      %sub3A_889 = arith.subi %sub3A_568, %sub3A_888 : i32
      %get3A_890 = arith.index_cast %sub3A_889 : i32 to index
      %get3A_891 = arith.constant 0 : index
      %get3A_892 = arith.constant 0 : index
      %get3A_893 = vector.load %arg11[%get3A_890, %get3A_891, %get3A_892] : memref<512x16x192xbf16, #tpu.memory_space<vmem>>, vector<1x16x192xbf16>
      %reshape3A_894 = vector.shape_cast %get3A_893 : vector<1x16x192xbf16> to vector<16x192xbf16>
      %convert_element_type3A_895 = arith.truncf %dot_general3A_876 : vector<16x192xf32> to vector<16x192xbf16>
      %mul3A_896 = arith.mulf %convert_element_type3A_895, %reshape3A_894 : vector<16x192xbf16>
      %dot_general3A_897 = arith.constant dense<0.000000e+00> : vector<16x192xf32>
      %dot_general3A_898 = tpu.matmul %mul3A_896, %convert_element_type3A_215, %dot_general3A_897 {dimension_numbers = #tpu.dot_dimension_numbers<[1], [0], [0], [1], [0, 0, 1, 1], [], []>, transpose_lhs_hint = false} : vector<16x192xbf16>, vector<192x192xbf16>, vector<16x192xf32> -> vector<16x192xf32>
      %add3A_899 = arith.constant 15 : i32
      %add3A_900 = arith.addi %add3A_564, %add3A_899 : i32
      %get3A_901 = arith.index_cast %add3A_900 : i32 to index
      %get3A_902 = arith.constant 0 : index
      %get3A_903 = arith.constant 0 : index
      %get3A_904 = vector.load %arg10[%get3A_901, %get3A_902, %get3A_903] : memref<512x16x192xbf16, #tpu.memory_space<vmem>>, vector<1x16x192xbf16>
      %reshape3A_905 = vector.shape_cast %get3A_904 : vector<1x16x192xbf16> to vector<16x192xbf16>
      %convert_element_type3A_906 = arith.truncf %dot_general3A_887 : vector<16x192xf32> to vector<16x192xbf16>
      %mul3A_907 = arith.mulf %convert_element_type3A_906, %reshape3A_905 : vector<16x192xbf16>
      %dot_general3A_908 = arith.constant dense<0.000000e+00> : vector<16x192xf32>
      %dot_general3A_909 = tpu.matmul %mul3A_907, %convert_element_type3A_191, %dot_general3A_908 {dimension_numbers = #tpu.dot_dimension_numbers<[1], [0], [0], [1], [0, 0, 1, 1], [], []>, transpose_lhs_hint = false} : vector<16x192xbf16>, vector<192x192xbf16>, vector<16x192xf32> -> vector<16x192xf32>
      %sub3A_910 = arith.constant 15 : i32
      %sub3A_911 = arith.subi %sub3A_568, %sub3A_910 : i32
      %get3A_912 = arith.index_cast %sub3A_911 : i32 to index
      %get3A_913 = arith.constant 0 : index
      %get3A_914 = arith.constant 0 : index
      %get3A_915 = vector.load %arg11[%get3A_912, %get3A_913, %get3A_914] : memref<512x16x192xbf16, #tpu.memory_space<vmem>>, vector<1x16x192xbf16>
      %reshape3A_916 = vector.shape_cast %get3A_915 : vector<1x16x192xbf16> to vector<16x192xbf16>
      %convert_element_type3A_917 = arith.truncf %dot_general3A_898 : vector<16x192xf32> to vector<16x192xbf16>
      %mul3A_918 = arith.mulf %convert_element_type3A_917, %reshape3A_916 : vector<16x192xbf16>
      %dot_general3A_919 = arith.constant dense<0.000000e+00> : vector<16x192xf32>
      %dot_general3A_920 = tpu.matmul %mul3A_918, %convert_element_type3A_215, %dot_general3A_919 {dimension_numbers = #tpu.dot_dimension_numbers<[1], [0], [0], [1], [0, 0, 1, 1], [], []>, transpose_lhs_hint = false} : vector<16x192xbf16>, vector<192x192xbf16>, vector<16x192xf32> -> vector<16x192xf32>
      %reduce_max3A_921 = arith.constant dense<0xFF800000> : vector<16xf32>
      %reduce_max3A_922 = vector.multi_reduction <maximumf>, %dot_general3A_909, %reduce_max3A_921 [1] : vector<16x192xf32> to vector<16xf32>
      %broadcast_in_dim3A_923 = vector.shape_cast %reduce_max3A_922 : vector<16xf32> to vector<16x1xf32>
      %div3A_924 = vector.broadcast %broadcast_in_dim3A_923 : vector<16x1xf32> to vector<16x192xf32>
      %div3A_925 = arith.divf %dot_general3A_909, %div3A_924 : vector<16x192xf32>
      %log3A_926 = math.log %broadcast_in_dim3A_923 : vector<16x1xf32>
      %add3A_927 = arith.addf %scan3A_559, %log3A_926 : vector<16x1xf32>
      %reduce_max3A_928 = arith.constant dense<0xFF800000> : vector<16xf32>
      %reduce_max3A_929 = vector.multi_reduction <maximumf>, %dot_general3A_920, %reduce_max3A_928 [1] : vector<16x192xf32> to vector<16xf32>
      %broadcast_in_dim3A_930 = vector.shape_cast %reduce_max3A_929 : vector<16xf32> to vector<16x1xf32>
      %div3A_931 = vector.broadcast %broadcast_in_dim3A_930 : vector<16x1xf32> to vector<16x192xf32>
      %div3A_932 = arith.divf %dot_general3A_920, %div3A_931 : vector<16x192xf32>
      %log3A_933 = math.log %broadcast_in_dim3A_930 : vector<16x1xf32>
      %add3A_934 = arith.addf %scan3A_560, %log3A_933 : vector<16x1xf32>
      scf.yield %div3A_925, %div3A_932, %add3A_927, %add3A_934 : vector<16x192xf32>, vector<16x192xf32>, vector<16x1xf32>, vector<16x1xf32>
    }
    %scan3A_236 = arith.constant 15 : i32
    %get3A_237 = arith.constant 241 : index
    %get3A_238 = arith.constant 0 : index
    %get3A_239 = arith.constant 0 : index
    %get3A_240 = vector.load %arg10[%get3A_237, %get3A_238, %get3A_239] : memref<512x16x192xbf16, #tpu.memory_space<vmem>>, vector<1x16x192xbf16>
    %reshape3A = vector.shape_cast %get3A_240 : vector<1x16x192xbf16> to vector<16x192xbf16>
    %convert_element_type3A_241 = arith.truncf %scan3A_235#0 : vector<16x192xf32> to vector<16x192xbf16>
    %mul3A_242 = arith.mulf %convert_element_type3A_241, %reshape3A : vector<16x192xbf16>
    %dot_general3A = arith.constant dense<0.000000e+00> : vector<16x192xf32>
    %dot_general3A_243 = tpu.matmul %mul3A_242, %convert_element_type3A_191, %dot_general3A {dimension_numbers = #tpu.dot_dimension_numbers<[1], [0], [0], [1], [0, 0, 1, 1], [], []>, transpose_lhs_hint = false} : vector<16x192xbf16>, vector<192x192xbf16>, vector<16x192xf32> -> vector<16x192xf32>
    %get3A_244 = arith.constant 242 : index
    %get3A_245 = arith.constant 0 : index
    %get3A_246 = arith.constant 0 : index
    %get3A_247 = vector.load %arg10[%get3A_244, %get3A_245, %get3A_246] : memref<512x16x192xbf16, #tpu.memory_space<vmem>>, vector<1x16x192xbf16>
    %reshape3A_248 = vector.shape_cast %get3A_247 : vector<1x16x192xbf16> to vector<16x192xbf16>
    %convert_element_type3A_249 = arith.truncf %dot_general3A_243 : vector<16x192xf32> to vector<16x192xbf16>
    %mul3A_250 = arith.mulf %convert_element_type3A_249, %reshape3A_248 : vector<16x192xbf16>
    %dot_general3A_251 = arith.constant dense<0.000000e+00> : vector<16x192xf32>
    %dot_general3A_252 = tpu.matmul %mul3A_250, %convert_element_type3A_191, %dot_general3A_251 {dimension_numbers = #tpu.dot_dimension_numbers<[1], [0], [0], [1], [0, 0, 1, 1], [], []>, transpose_lhs_hint = false} : vector<16x192xbf16>, vector<192x192xbf16>, vector<16x192xf32> -> vector<16x192xf32>
    %get3A_253 = arith.constant 243 : index
    %get3A_254 = arith.constant 0 : index
    %get3A_255 = arith.constant 0 : index
    %get3A_256 = vector.load %arg10[%get3A_253, %get3A_254, %get3A_255] : memref<512x16x192xbf16, #tpu.memory_space<vmem>>, vector<1x16x192xbf16>
    %reshape3A_257 = vector.shape_cast %get3A_256 : vector<1x16x192xbf16> to vector<16x192xbf16>
    %convert_element_type3A_258 = arith.truncf %dot_general3A_252 : vector<16x192xf32> to vector<16x192xbf16>
    %mul3A_259 = arith.mulf %convert_element_type3A_258, %reshape3A_257 : vector<16x192xbf16>
    %dot_general3A_260 = arith.constant dense<0.000000e+00> : vector<16x192xf32>
    %dot_general3A_261 = tpu.matmul %mul3A_259, %convert_element_type3A_191, %dot_general3A_260 {dimension_numbers = #tpu.dot_dimension_numbers<[1], [0], [0], [1], [0, 0, 1, 1], [], []>, transpose_lhs_hint = false} : vector<16x192xbf16>, vector<192x192xbf16>, vector<16x192xf32> -> vector<16x192xf32>
    %get3A_262 = arith.constant 244 : index
    %get3A_263 = arith.constant 0 : index
    %get3A_264 = arith.constant 0 : index
    %get3A_265 = vector.load %arg10[%get3A_262, %get3A_263, %get3A_264] : memref<512x16x192xbf16, #tpu.memory_space<vmem>>, vector<1x16x192xbf16>
    %reshape3A_266 = vector.shape_cast %get3A_265 : vector<1x16x192xbf16> to vector<16x192xbf16>
    %convert_element_type3A_267 = arith.truncf %dot_general3A_261 : vector<16x192xf32> to vector<16x192xbf16>
    %mul3A_268 = arith.mulf %convert_element_type3A_267, %reshape3A_266 : vector<16x192xbf16>
    %dot_general3A_269 = arith.constant dense<0.000000e+00> : vector<16x192xf32>
    %dot_general3A_270 = tpu.matmul %mul3A_268, %convert_element_type3A_191, %dot_general3A_269 {dimension_numbers = #tpu.dot_dimension_numbers<[1], [0], [0], [1], [0, 0, 1, 1], [], []>, transpose_lhs_hint = false} : vector<16x192xbf16>, vector<192x192xbf16>, vector<16x192xf32> -> vector<16x192xf32>
    %get3A_271 = arith.constant 245 : index
    %get3A_272 = arith.constant 0 : index
    %get3A_273 = arith.constant 0 : index
    %get3A_274 = vector.load %arg10[%get3A_271, %get3A_272, %get3A_273] : memref<512x16x192xbf16, #tpu.memory_space<vmem>>, vector<1x16x192xbf16>
    %reshape3A_275 = vector.shape_cast %get3A_274 : vector<1x16x192xbf16> to vector<16x192xbf16>
    %convert_element_type3A_276 = arith.truncf %dot_general3A_270 : vector<16x192xf32> to vector<16x192xbf16>
    %mul3A_277 = arith.mulf %convert_element_type3A_276, %reshape3A_275 : vector<16x192xbf16>
    %dot_general3A_278 = arith.constant dense<0.000000e+00> : vector<16x192xf32>
    %dot_general3A_279 = tpu.matmul %mul3A_277, %convert_element_type3A_191, %dot_general3A_278 {dimension_numbers = #tpu.dot_dimension_numbers<[1], [0], [0], [1], [0, 0, 1, 1], [], []>, transpose_lhs_hint = false} : vector<16x192xbf16>, vector<192x192xbf16>, vector<16x192xf32> -> vector<16x192xf32>
    %get3A_280 = arith.constant 246 : index
    %get3A_281 = arith.constant 0 : index
    %get3A_282 = arith.constant 0 : index
    %get3A_283 = vector.load %arg10[%get3A_280, %get3A_281, %get3A_282] : memref<512x16x192xbf16, #tpu.memory_space<vmem>>, vector<1x16x192xbf16>
    %reshape3A_284 = vector.shape_cast %get3A_283 : vector<1x16x192xbf16> to vector<16x192xbf16>
    %convert_element_type3A_285 = arith.truncf %dot_general3A_279 : vector<16x192xf32> to vector<16x192xbf16>
    %mul3A_286 = arith.mulf %convert_element_type3A_285, %reshape3A_284 : vector<16x192xbf16>
    %dot_general3A_287 = arith.constant dense<0.000000e+00> : vector<16x192xf32>
    %dot_general3A_288 = tpu.matmul %mul3A_286, %convert_element_type3A_191, %dot_general3A_287 {dimension_numbers = #tpu.dot_dimension_numbers<[1], [0], [0], [1], [0, 0, 1, 1], [], []>, transpose_lhs_hint = false} : vector<16x192xbf16>, vector<192x192xbf16>, vector<16x192xf32> -> vector<16x192xf32>
    %get3A_289 = arith.constant 247 : index
    %get3A_290 = arith.constant 0 : index
    %get3A_291 = arith.constant 0 : index
    %get3A_292 = vector.load %arg10[%get3A_289, %get3A_290, %get3A_291] : memref<512x16x192xbf16, #tpu.memory_space<vmem>>, vector<1x16x192xbf16>
    %reshape3A_293 = vector.shape_cast %get3A_292 : vector<1x16x192xbf16> to vector<16x192xbf16>
    %convert_element_type3A_294 = arith.truncf %dot_general3A_288 : vector<16x192xf32> to vector<16x192xbf16>
    %mul3A_295 = arith.mulf %convert_element_type3A_294, %reshape3A_293 : vector<16x192xbf16>
    %dot_general3A_296 = arith.constant dense<0.000000e+00> : vector<16x192xf32>
    %dot_general3A_297 = tpu.matmul %mul3A_295, %convert_element_type3A_191, %dot_general3A_296 {dimension_numbers = #tpu.dot_dimension_numbers<[1], [0], [0], [1], [0, 0, 1, 1], [], []>, transpose_lhs_hint = false} : vector<16x192xbf16>, vector<192x192xbf16>, vector<16x192xf32> -> vector<16x192xf32>
    %get3A_298 = arith.constant 248 : index
    %get3A_299 = arith.constant 0 : index
    %get3A_300 = arith.constant 0 : index
    %get3A_301 = vector.load %arg10[%get3A_298, %get3A_299, %get3A_300] : memref<512x16x192xbf16, #tpu.memory_space<vmem>>, vector<1x16x192xbf16>
    %reshape3A_302 = vector.shape_cast %get3A_301 : vector<1x16x192xbf16> to vector<16x192xbf16>
    %convert_element_type3A_303 = arith.truncf %dot_general3A_297 : vector<16x192xf32> to vector<16x192xbf16>
    %mul3A_304 = arith.mulf %convert_element_type3A_303, %reshape3A_302 : vector<16x192xbf16>
    %dot_general3A_305 = arith.constant dense<0.000000e+00> : vector<16x192xf32>
    %dot_general3A_306 = tpu.matmul %mul3A_304, %convert_element_type3A_191, %dot_general3A_305 {dimension_numbers = #tpu.dot_dimension_numbers<[1], [0], [0], [1], [0, 0, 1, 1], [], []>, transpose_lhs_hint = false} : vector<16x192xbf16>, vector<192x192xbf16>, vector<16x192xf32> -> vector<16x192xf32>
    %get3A_307 = arith.constant 249 : index
    %get3A_308 = arith.constant 0 : index
    %get3A_309 = arith.constant 0 : index
    %get3A_310 = vector.load %arg10[%get3A_307, %get3A_308, %get3A_309] : memref<512x16x192xbf16, #tpu.memory_space<vmem>>, vector<1x16x192xbf16>
    %reshape3A_311 = vector.shape_cast %get3A_310 : vector<1x16x192xbf16> to vector<16x192xbf16>
    %convert_element_type3A_312 = arith.truncf %dot_general3A_306 : vector<16x192xf32> to vector<16x192xbf16>
    %mul3A_313 = arith.mulf %convert_element_type3A_312, %reshape3A_311 : vector<16x192xbf16>
    %dot_general3A_314 = arith.constant dense<0.000000e+00> : vector<16x192xf32>
    %dot_general3A_315 = tpu.matmul %mul3A_313, %convert_element_type3A_191, %dot_general3A_314 {dimension_numbers = #tpu.dot_dimension_numbers<[1], [0], [0], [1], [0, 0, 1, 1], [], []>, transpose_lhs_hint = false} : vector<16x192xbf16>, vector<192x192xbf16>, vector<16x192xf32> -> vector<16x192xf32>
    %get3A_316 = arith.constant 250 : index
    %get3A_317 = arith.constant 0 : index
    %get3A_318 = arith.constant 0 : index
    %get3A_319 = vector.load %arg10[%get3A_316, %get3A_317, %get3A_318] : memref<512x16x192xbf16, #tpu.memory_space<vmem>>, vector<1x16x192xbf16>
    %reshape3A_320 = vector.shape_cast %get3A_319 : vector<1x16x192xbf16> to vector<16x192xbf16>
    %convert_element_type3A_321 = arith.truncf %dot_general3A_315 : vector<16x192xf32> to vector<16x192xbf16>
    %mul3A_322 = arith.mulf %convert_element_type3A_321, %reshape3A_320 : vector<16x192xbf16>
    %dot_general3A_323 = arith.constant dense<0.000000e+00> : vector<16x192xf32>
    %dot_general3A_324 = tpu.matmul %mul3A_322, %convert_element_type3A_191, %dot_general3A_323 {dimension_numbers = #tpu.dot_dimension_numbers<[1], [0], [0], [1], [0, 0, 1, 1], [], []>, transpose_lhs_hint = false} : vector<16x192xbf16>, vector<192x192xbf16>, vector<16x192xf32> -> vector<16x192xf32>
    %get3A_325 = arith.constant 251 : index
    %get3A_326 = arith.constant 0 : index
    %get3A_327 = arith.constant 0 : index
    %get3A_328 = vector.load %arg10[%get3A_325, %get3A_326, %get3A_327] : memref<512x16x192xbf16, #tpu.memory_space<vmem>>, vector<1x16x192xbf16>
    %reshape3A_329 = vector.shape_cast %get3A_328 : vector<1x16x192xbf16> to vector<16x192xbf16>
    %convert_element_type3A_330 = arith.truncf %dot_general3A_324 : vector<16x192xf32> to vector<16x192xbf16>
    %mul3A_331 = arith.mulf %convert_element_type3A_330, %reshape3A_329 : vector<16x192xbf16>
    %dot_general3A_332 = arith.constant dense<0.000000e+00> : vector<16x192xf32>
    %dot_general3A_333 = tpu.matmul %mul3A_331, %convert_element_type3A_191, %dot_general3A_332 {dimension_numbers = #tpu.dot_dimension_numbers<[1], [0], [0], [1], [0, 0, 1, 1], [], []>, transpose_lhs_hint = false} : vector<16x192xbf16>, vector<192x192xbf16>, vector<16x192xf32> -> vector<16x192xf32>
    %get3A_334 = arith.constant 252 : index
    %get3A_335 = arith.constant 0 : index
    %get3A_336 = arith.constant 0 : index
    %get3A_337 = vector.load %arg10[%get3A_334, %get3A_335, %get3A_336] : memref<512x16x192xbf16, #tpu.memory_space<vmem>>, vector<1x16x192xbf16>
    %reshape3A_338 = vector.shape_cast %get3A_337 : vector<1x16x192xbf16> to vector<16x192xbf16>
    %convert_element_type3A_339 = arith.truncf %dot_general3A_333 : vector<16x192xf32> to vector<16x192xbf16>
    %mul3A_340 = arith.mulf %convert_element_type3A_339, %reshape3A_338 : vector<16x192xbf16>
    %dot_general3A_341 = arith.constant dense<0.000000e+00> : vector<16x192xf32>
    %dot_general3A_342 = tpu.matmul %mul3A_340, %convert_element_type3A_191, %dot_general3A_341 {dimension_numbers = #tpu.dot_dimension_numbers<[1], [0], [0], [1], [0, 0, 1, 1], [], []>, transpose_lhs_hint = false} : vector<16x192xbf16>, vector<192x192xbf16>, vector<16x192xf32> -> vector<16x192xf32>
    %get3A_343 = arith.constant 253 : index
    %get3A_344 = arith.constant 0 : index
    %get3A_345 = arith.constant 0 : index
    %get3A_346 = vector.load %arg10[%get3A_343, %get3A_344, %get3A_345] : memref<512x16x192xbf16, #tpu.memory_space<vmem>>, vector<1x16x192xbf16>
    %reshape3A_347 = vector.shape_cast %get3A_346 : vector<1x16x192xbf16> to vector<16x192xbf16>
    %convert_element_type3A_348 = arith.truncf %dot_general3A_342 : vector<16x192xf32> to vector<16x192xbf16>
    %mul3A_349 = arith.mulf %convert_element_type3A_348, %reshape3A_347 : vector<16x192xbf16>
    %dot_general3A_350 = arith.constant dense<0.000000e+00> : vector<16x192xf32>
    %dot_general3A_351 = tpu.matmul %mul3A_349, %convert_element_type3A_191, %dot_general3A_350 {dimension_numbers = #tpu.dot_dimension_numbers<[1], [0], [0], [1], [0, 0, 1, 1], [], []>, transpose_lhs_hint = false} : vector<16x192xbf16>, vector<192x192xbf16>, vector<16x192xf32> -> vector<16x192xf32>
    %get3A_352 = arith.constant 254 : index
    %get3A_353 = arith.constant 0 : index
    %get3A_354 = arith.constant 0 : index
    %get3A_355 = vector.load %arg10[%get3A_352, %get3A_353, %get3A_354] : memref<512x16x192xbf16, #tpu.memory_space<vmem>>, vector<1x16x192xbf16>
    %reshape3A_356 = vector.shape_cast %get3A_355 : vector<1x16x192xbf16> to vector<16x192xbf16>
    %convert_element_type3A_357 = arith.truncf %dot_general3A_351 : vector<16x192xf32> to vector<16x192xbf16>
    %mul3A_358 = arith.mulf %convert_element_type3A_357, %reshape3A_356 : vector<16x192xbf16>
    %dot_general3A_359 = arith.constant dense<0.000000e+00> : vector<16x192xf32>
    %dot_general3A_360 = tpu.matmul %mul3A_358, %convert_element_type3A_191, %dot_general3A_359 {dimension_numbers = #tpu.dot_dimension_numbers<[1], [0], [0], [1], [0, 0, 1, 1], [], []>, transpose_lhs_hint = false} : vector<16x192xbf16>, vector<192x192xbf16>, vector<16x192xf32> -> vector<16x192xf32>
    %get3A_361 = arith.constant 255 : index
    %get3A_362 = arith.constant 0 : index
    %get3A_363 = arith.constant 0 : index
    %get3A_364 = vector.load %arg10[%get3A_361, %get3A_362, %get3A_363] : memref<512x16x192xbf16, #tpu.memory_space<vmem>>, vector<1x16x192xbf16>
    %reshape3A_365 = vector.shape_cast %get3A_364 : vector<1x16x192xbf16> to vector<16x192xbf16>
    %convert_element_type3A_366 = arith.truncf %dot_general3A_360 : vector<16x192xf32> to vector<16x192xbf16>
    %mul3A_367 = arith.mulf %convert_element_type3A_366, %reshape3A_365 : vector<16x192xbf16>
    %dot_general3A_368 = arith.constant dense<0.000000e+00> : vector<16x192xf32>
    %dot_general3A_369 = tpu.matmul %mul3A_367, %convert_element_type3A_191, %dot_general3A_368 {dimension_numbers = #tpu.dot_dimension_numbers<[1], [0], [0], [1], [0, 0, 1, 1], [], []>, transpose_lhs_hint = false} : vector<16x192xbf16>, vector<192x192xbf16>, vector<16x192xf32> -> vector<16x192xf32>
    %get3A_370 = arith.constant 256 : index
    %get3A_371 = arith.constant 0 : index
    %get3A_372 = arith.constant 0 : index
    %get3A_373 = vector.load %arg10[%get3A_370, %get3A_371, %get3A_372] : memref<512x16x192xbf16, #tpu.memory_space<vmem>>, vector<1x16x192xbf16>
    %reshape3A_374 = vector.shape_cast %get3A_373 : vector<1x16x192xbf16> to vector<16x192xbf16>
    %convert_element_type3A_375 = arith.truncf %dot_general3A_369 : vector<16x192xf32> to vector<16x192xbf16>
    %mul3A_376 = arith.mulf %convert_element_type3A_375, %reshape3A_374 : vector<16x192xbf16>
    %dot_general3A_377 = arith.constant dense<0.000000e+00> : vector<16x192xf32>
    %dot_general3A_378 = tpu.matmul %mul3A_376, %convert_element_type3A_191, %dot_general3A_377 {dimension_numbers = #tpu.dot_dimension_numbers<[1], [0], [0], [1], [0, 0, 1, 1], [], []>, transpose_lhs_hint = false} : vector<16x192xbf16>, vector<192x192xbf16>, vector<16x192xf32> -> vector<16x192xf32>
    %get3A_379 = arith.constant 271 : index
    %get3A_380 = arith.constant 0 : index
    %get3A_381 = arith.constant 0 : index
    %get3A_382 = vector.load %arg11[%get3A_379, %get3A_380, %get3A_381] : memref<512x16x192xbf16, #tpu.memory_space<vmem>>, vector<1x16x192xbf16>
    %reshape3A_383 = vector.shape_cast %get3A_382 : vector<1x16x192xbf16> to vector<16x192xbf16>
    %convert_element_type3A_384 = arith.truncf %scan3A_235#1 : vector<16x192xf32> to vector<16x192xbf16>
    %mul3A_385 = arith.mulf %convert_element_type3A_384, %reshape3A_383 : vector<16x192xbf16>
    %dot_general3A_386 = arith.constant dense<0.000000e+00> : vector<16x192xf32>
    %dot_general3A_387 = tpu.matmul %mul3A_385, %convert_element_type3A_215, %dot_general3A_386 {dimension_numbers = #tpu.dot_dimension_numbers<[1], [0], [0], [1], [0, 0, 1, 1], [], []>, transpose_lhs_hint = false} : vector<16x192xbf16>, vector<192x192xbf16>, vector<16x192xf32> -> vector<16x192xf32>
    %get3A_388 = arith.constant 270 : index
    %get3A_389 = arith.constant 0 : index
    %get3A_390 = arith.constant 0 : index
    %get3A_391 = vector.load %arg11[%get3A_388, %get3A_389, %get3A_390] : memref<512x16x192xbf16, #tpu.memory_space<vmem>>, vector<1x16x192xbf16>
    %reshape3A_392 = vector.shape_cast %get3A_391 : vector<1x16x192xbf16> to vector<16x192xbf16>
    %convert_element_type3A_393 = arith.truncf %dot_general3A_387 : vector<16x192xf32> to vector<16x192xbf16>
    %mul3A_394 = arith.mulf %convert_element_type3A_393, %reshape3A_392 : vector<16x192xbf16>
    %dot_general3A_395 = arith.constant dense<0.000000e+00> : vector<16x192xf32>
    %dot_general3A_396 = tpu.matmul %mul3A_394, %convert_element_type3A_215, %dot_general3A_395 {dimension_numbers = #tpu.dot_dimension_numbers<[1], [0], [0], [1], [0, 0, 1, 1], [], []>, transpose_lhs_hint = false} : vector<16x192xbf16>, vector<192x192xbf16>, vector<16x192xf32> -> vector<16x192xf32>
    %get3A_397 = arith.constant 269 : index
    %get3A_398 = arith.constant 0 : index
    %get3A_399 = arith.constant 0 : index
    %get3A_400 = vector.load %arg11[%get3A_397, %get3A_398, %get3A_399] : memref<512x16x192xbf16, #tpu.memory_space<vmem>>, vector<1x16x192xbf16>
    %reshape3A_401 = vector.shape_cast %get3A_400 : vector<1x16x192xbf16> to vector<16x192xbf16>
    %convert_element_type3A_402 = arith.truncf %dot_general3A_396 : vector<16x192xf32> to vector<16x192xbf16>
    %mul3A_403 = arith.mulf %convert_element_type3A_402, %reshape3A_401 : vector<16x192xbf16>
    %dot_general3A_404 = arith.constant dense<0.000000e+00> : vector<16x192xf32>
    %dot_general3A_405 = tpu.matmul %mul3A_403, %convert_element_type3A_215, %dot_general3A_404 {dimension_numbers = #tpu.dot_dimension_numbers<[1], [0], [0], [1], [0, 0, 1, 1], [], []>, transpose_lhs_hint = false} : vector<16x192xbf16>, vector<192x192xbf16>, vector<16x192xf32> -> vector<16x192xf32>
    %get3A_406 = arith.constant 268 : index
    %get3A_407 = arith.constant 0 : index
    %get3A_408 = arith.constant 0 : index
    %get3A_409 = vector.load %arg11[%get3A_406, %get3A_407, %get3A_408] : memref<512x16x192xbf16, #tpu.memory_space<vmem>>, vector<1x16x192xbf16>
    %reshape3A_410 = vector.shape_cast %get3A_409 : vector<1x16x192xbf16> to vector<16x192xbf16>
    %convert_element_type3A_411 = arith.truncf %dot_general3A_405 : vector<16x192xf32> to vector<16x192xbf16>
    %mul3A_412 = arith.mulf %convert_element_type3A_411, %reshape3A_410 : vector<16x192xbf16>
    %dot_general3A_413 = arith.constant dense<0.000000e+00> : vector<16x192xf32>
    %dot_general3A_414 = tpu.matmul %mul3A_412, %convert_element_type3A_215, %dot_general3A_413 {dimension_numbers = #tpu.dot_dimension_numbers<[1], [0], [0], [1], [0, 0, 1, 1], [], []>, transpose_lhs_hint = false} : vector<16x192xbf16>, vector<192x192xbf16>, vector<16x192xf32> -> vector<16x192xf32>
    %get3A_415 = arith.constant 267 : index
    %get3A_416 = arith.constant 0 : index
    %get3A_417 = arith.constant 0 : index
    %get3A_418 = vector.load %arg11[%get3A_415, %get3A_416, %get3A_417] : memref<512x16x192xbf16, #tpu.memory_space<vmem>>, vector<1x16x192xbf16>
    %reshape3A_419 = vector.shape_cast %get3A_418 : vector<1x16x192xbf16> to vector<16x192xbf16>
    %convert_element_type3A_420 = arith.truncf %dot_general3A_414 : vector<16x192xf32> to vector<16x192xbf16>
    %mul3A_421 = arith.mulf %convert_element_type3A_420, %reshape3A_419 : vector<16x192xbf16>
    %dot_general3A_422 = arith.constant dense<0.000000e+00> : vector<16x192xf32>
    %dot_general3A_423 = tpu.matmul %mul3A_421, %convert_element_type3A_215, %dot_general3A_422 {dimension_numbers = #tpu.dot_dimension_numbers<[1], [0], [0], [1], [0, 0, 1, 1], [], []>, transpose_lhs_hint = false} : vector<16x192xbf16>, vector<192x192xbf16>, vector<16x192xf32> -> vector<16x192xf32>
    %get3A_424 = arith.constant 266 : index
    %get3A_425 = arith.constant 0 : index
    %get3A_426 = arith.constant 0 : index
    %get3A_427 = vector.load %arg11[%get3A_424, %get3A_425, %get3A_426] : memref<512x16x192xbf16, #tpu.memory_space<vmem>>, vector<1x16x192xbf16>
    %reshape3A_428 = vector.shape_cast %get3A_427 : vector<1x16x192xbf16> to vector<16x192xbf16>
    %convert_element_type3A_429 = arith.truncf %dot_general3A_423 : vector<16x192xf32> to vector<16x192xbf16>
    %mul3A_430 = arith.mulf %convert_element_type3A_429, %reshape3A_428 : vector<16x192xbf16>
    %dot_general3A_431 = arith.constant dense<0.000000e+00> : vector<16x192xf32>
    %dot_general3A_432 = tpu.matmul %mul3A_430, %convert_element_type3A_215, %dot_general3A_431 {dimension_numbers = #tpu.dot_dimension_numbers<[1], [0], [0], [1], [0, 0, 1, 1], [], []>, transpose_lhs_hint = false} : vector<16x192xbf16>, vector<192x192xbf16>, vector<16x192xf32> -> vector<16x192xf32>
    %get3A_433 = arith.constant 265 : index
    %get3A_434 = arith.constant 0 : index
    %get3A_435 = arith.constant 0 : index
    %get3A_436 = vector.load %arg11[%get3A_433, %get3A_434, %get3A_435] : memref<512x16x192xbf16, #tpu.memory_space<vmem>>, vector<1x16x192xbf16>
    %reshape3A_437 = vector.shape_cast %get3A_436 : vector<1x16x192xbf16> to vector<16x192xbf16>
    %convert_element_type3A_438 = arith.truncf %dot_general3A_432 : vector<16x192xf32> to vector<16x192xbf16>
    %mul3A_439 = arith.mulf %convert_element_type3A_438, %reshape3A_437 : vector<16x192xbf16>
    %dot_general3A_440 = arith.constant dense<0.000000e+00> : vector<16x192xf32>
    %dot_general3A_441 = tpu.matmul %mul3A_439, %convert_element_type3A_215, %dot_general3A_440 {dimension_numbers = #tpu.dot_dimension_numbers<[1], [0], [0], [1], [0, 0, 1, 1], [], []>, transpose_lhs_hint = false} : vector<16x192xbf16>, vector<192x192xbf16>, vector<16x192xf32> -> vector<16x192xf32>
    %get3A_442 = arith.constant 264 : index
    %get3A_443 = arith.constant 0 : index
    %get3A_444 = arith.constant 0 : index
    %get3A_445 = vector.load %arg11[%get3A_442, %get3A_443, %get3A_444] : memref<512x16x192xbf16, #tpu.memory_space<vmem>>, vector<1x16x192xbf16>
    %reshape3A_446 = vector.shape_cast %get3A_445 : vector<1x16x192xbf16> to vector<16x192xbf16>
    %convert_element_type3A_447 = arith.truncf %dot_general3A_441 : vector<16x192xf32> to vector<16x192xbf16>
    %mul3A_448 = arith.mulf %convert_element_type3A_447, %reshape3A_446 : vector<16x192xbf16>
    %dot_general3A_449 = arith.constant dense<0.000000e+00> : vector<16x192xf32>
    %dot_general3A_450 = tpu.matmul %mul3A_448, %convert_element_type3A_215, %dot_general3A_449 {dimension_numbers = #tpu.dot_dimension_numbers<[1], [0], [0], [1], [0, 0, 1, 1], [], []>, transpose_lhs_hint = false} : vector<16x192xbf16>, vector<192x192xbf16>, vector<16x192xf32> -> vector<16x192xf32>
    %get3A_451 = arith.constant 263 : index
    %get3A_452 = arith.constant 0 : index
    %get3A_453 = arith.constant 0 : index
    %get3A_454 = vector.load %arg11[%get3A_451, %get3A_452, %get3A_453] : memref<512x16x192xbf16, #tpu.memory_space<vmem>>, vector<1x16x192xbf16>
    %reshape3A_455 = vector.shape_cast %get3A_454 : vector<1x16x192xbf16> to vector<16x192xbf16>
    %convert_element_type3A_456 = arith.truncf %dot_general3A_450 : vector<16x192xf32> to vector<16x192xbf16>
    %mul3A_457 = arith.mulf %convert_element_type3A_456, %reshape3A_455 : vector<16x192xbf16>
    %dot_general3A_458 = arith.constant dense<0.000000e+00> : vector<16x192xf32>
    %dot_general3A_459 = tpu.matmul %mul3A_457, %convert_element_type3A_215, %dot_general3A_458 {dimension_numbers = #tpu.dot_dimension_numbers<[1], [0], [0], [1], [0, 0, 1, 1], [], []>, transpose_lhs_hint = false} : vector<16x192xbf16>, vector<192x192xbf16>, vector<16x192xf32> -> vector<16x192xf32>
    %get3A_460 = arith.constant 262 : index
    %get3A_461 = arith.constant 0 : index
    %get3A_462 = arith.constant 0 : index
    %get3A_463 = vector.load %arg11[%get3A_460, %get3A_461, %get3A_462] : memref<512x16x192xbf16, #tpu.memory_space<vmem>>, vector<1x16x192xbf16>
    %reshape3A_464 = vector.shape_cast %get3A_463 : vector<1x16x192xbf16> to vector<16x192xbf16>
    %convert_element_type3A_465 = arith.truncf %dot_general3A_459 : vector<16x192xf32> to vector<16x192xbf16>
    %mul3A_466 = arith.mulf %convert_element_type3A_465, %reshape3A_464 : vector<16x192xbf16>
    %dot_general3A_467 = arith.constant dense<0.000000e+00> : vector<16x192xf32>
    %dot_general3A_468 = tpu.matmul %mul3A_466, %convert_element_type3A_215, %dot_general3A_467 {dimension_numbers = #tpu.dot_dimension_numbers<[1], [0], [0], [1], [0, 0, 1, 1], [], []>, transpose_lhs_hint = false} : vector<16x192xbf16>, vector<192x192xbf16>, vector<16x192xf32> -> vector<16x192xf32>
    %get3A_469 = arith.constant 261 : index
    %get3A_470 = arith.constant 0 : index
    %get3A_471 = arith.constant 0 : index
    %get3A_472 = vector.load %arg11[%get3A_469, %get3A_470, %get3A_471] : memref<512x16x192xbf16, #tpu.memory_space<vmem>>, vector<1x16x192xbf16>
    %reshape3A_473 = vector.shape_cast %get3A_472 : vector<1x16x192xbf16> to vector<16x192xbf16>
    %convert_element_type3A_474 = arith.truncf %dot_general3A_468 : vector<16x192xf32> to vector<16x192xbf16>
    %mul3A_475 = arith.mulf %convert_element_type3A_474, %reshape3A_473 : vector<16x192xbf16>
    %dot_general3A_476 = arith.constant dense<0.000000e+00> : vector<16x192xf32>
    %dot_general3A_477 = tpu.matmul %mul3A_475, %convert_element_type3A_215, %dot_general3A_476 {dimension_numbers = #tpu.dot_dimension_numbers<[1], [0], [0], [1], [0, 0, 1, 1], [], []>, transpose_lhs_hint = false} : vector<16x192xbf16>, vector<192x192xbf16>, vector<16x192xf32> -> vector<16x192xf32>
    %get3A_478 = arith.constant 260 : index
    %get3A_479 = arith.constant 0 : index
    %get3A_480 = arith.constant 0 : index
    %get3A_481 = vector.load %arg11[%get3A_478, %get3A_479, %get3A_480] : memref<512x16x192xbf16, #tpu.memory_space<vmem>>, vector<1x16x192xbf16>
    %reshape3A_482 = vector.shape_cast %get3A_481 : vector<1x16x192xbf16> to vector<16x192xbf16>
    %convert_element_type3A_483 = arith.truncf %dot_general3A_477 : vector<16x192xf32> to vector<16x192xbf16>
    %mul3A_484 = arith.mulf %convert_element_type3A_483, %reshape3A_482 : vector<16x192xbf16>
    %dot_general3A_485 = arith.constant dense<0.000000e+00> : vector<16x192xf32>
    %dot_general3A_486 = tpu.matmul %mul3A_484, %convert_element_type3A_215, %dot_general3A_485 {dimension_numbers = #tpu.dot_dimension_numbers<[1], [0], [0], [1], [0, 0, 1, 1], [], []>, transpose_lhs_hint = false} : vector<16x192xbf16>, vector<192x192xbf16>, vector<16x192xf32> -> vector<16x192xf32>
    %get3A_487 = arith.constant 259 : index
    %get3A_488 = arith.constant 0 : index
    %get3A_489 = arith.constant 0 : index
    %get3A_490 = vector.load %arg11[%get3A_487, %get3A_488, %get3A_489] : memref<512x16x192xbf16, #tpu.memory_space<vmem>>, vector<1x16x192xbf16>
    %reshape3A_491 = vector.shape_cast %get3A_490 : vector<1x16x192xbf16> to vector<16x192xbf16>
    %convert_element_type3A_492 = arith.truncf %dot_general3A_486 : vector<16x192xf32> to vector<16x192xbf16>
    %mul3A_493 = arith.mulf %convert_element_type3A_492, %reshape3A_491 : vector<16x192xbf16>
    %dot_general3A_494 = arith.constant dense<0.000000e+00> : vector<16x192xf32>
    %dot_general3A_495 = tpu.matmul %mul3A_493, %convert_element_type3A_215, %dot_general3A_494 {dimension_numbers = #tpu.dot_dimension_numbers<[1], [0], [0], [1], [0, 0, 1, 1], [], []>, transpose_lhs_hint = false} : vector<16x192xbf16>, vector<192x192xbf16>, vector<16x192xf32> -> vector<16x192xf32>
    %get3A_496 = arith.constant 258 : index
    %get3A_497 = arith.constant 0 : index
    %get3A_498 = arith.constant 0 : index
    %get3A_499 = vector.load %arg11[%get3A_496, %get3A_497, %get3A_498] : memref<512x16x192xbf16, #tpu.memory_space<vmem>>, vector<1x16x192xbf16>
    %reshape3A_500 = vector.shape_cast %get3A_499 : vector<1x16x192xbf16> to vector<16x192xbf16>
    %convert_element_type3A_501 = arith.truncf %dot_general3A_495 : vector<16x192xf32> to vector<16x192xbf16>
    %mul3A_502 = arith.mulf %convert_element_type3A_501, %reshape3A_500 : vector<16x192xbf16>
    %dot_general3A_503 = arith.constant dense<0.000000e+00> : vector<16x192xf32>
    %dot_general3A_504 = tpu.matmul %mul3A_502, %convert_element_type3A_215, %dot_general3A_503 {dimension_numbers = #tpu.dot_dimension_numbers<[1], [0], [0], [1], [0, 0, 1, 1], [], []>, transpose_lhs_hint = false} : vector<16x192xbf16>, vector<192x192xbf16>, vector<16x192xf32> -> vector<16x192xf32>
    %get3A_505 = arith.constant 257 : index
    %get3A_506 = arith.constant 0 : index
    %get3A_507 = arith.constant 0 : index
    %get3A_508 = vector.load %arg11[%get3A_505, %get3A_506, %get3A_507] : memref<512x16x192xbf16, #tpu.memory_space<vmem>>, vector<1x16x192xbf16>
    %reshape3A_509 = vector.shape_cast %get3A_508 : vector<1x16x192xbf16> to vector<16x192xbf16>
    %convert_element_type3A_510 = arith.truncf %dot_general3A_504 : vector<16x192xf32> to vector<16x192xbf16>
    %mul3A_511 = arith.mulf %convert_element_type3A_510, %reshape3A_509 : vector<16x192xbf16>
    %dot_general3A_512 = arith.constant dense<0.000000e+00> : vector<16x192xf32>
    %dot_general3A_513 = tpu.matmul %mul3A_511, %convert_element_type3A_215, %dot_general3A_512 {dimension_numbers = #tpu.dot_dimension_numbers<[1], [0], [0], [1], [0, 0, 1, 1], [], []>, transpose_lhs_hint = false} : vector<16x192xbf16>, vector<192x192xbf16>, vector<16x192xf32> -> vector<16x192xf32>
    %reduce_max3A = arith.constant dense<0xFF800000> : vector<16xf32>
    %reduce_max3A_514 = vector.multi_reduction <maximumf>, %dot_general3A_378, %reduce_max3A [1] : vector<16x192xf32> to vector<16xf32>
    %broadcast_in_dim3A_515 = vector.shape_cast %reduce_max3A_514 : vector<16xf32> to vector<16x1xf32>
    %div3A = vector.broadcast %broadcast_in_dim3A_515 : vector<16x1xf32> to vector<16x192xf32>
    %div3A_516 = arith.divf %dot_general3A_378, %div3A : vector<16x192xf32>
    %log3A = math.log %broadcast_in_dim3A_515 : vector<16x1xf32>
    %add3A_517 = arith.addf %scan3A_235#2, %log3A : vector<16x1xf32>
    %reduce_max3A_518 = arith.constant dense<0xFF800000> : vector<16xf32>
    %reduce_max3A_519 = vector.multi_reduction <maximumf>, %dot_general3A_513, %reduce_max3A_518 [1] : vector<16x192xf32> to vector<16xf32>
    %broadcast_in_dim3A_520 = vector.shape_cast %reduce_max3A_519 : vector<16xf32> to vector<16x1xf32>
    %div3A_521 = vector.broadcast %broadcast_in_dim3A_520 : vector<16x1xf32> to vector<16x192xf32>
    %div3A_522 = arith.divf %dot_general3A_513, %div3A_521 : vector<16x192xf32>
    %log3A_523 = math.log %broadcast_in_dim3A_520 : vector<16x1xf32>
    %add3A_524 = arith.addf %scan3A_235#3, %log3A_523 : vector<16x1xf32>
    %slice3A_525 = vector.extract_strided_slice %div3A_516 {offsets = [0, 0], sizes = [16, 64], strides = [1, 1]} : vector<16x192xf32> to vector<16x64xf32>
    %slice3A_526 = vector.extract_strided_slice %exp3A {offsets = [256, 0, 0], sizes = [1, 16, 64], strides = [1, 1, 1]} : vector<512x16x64xf32> to vector<1x16x64xf32>
    %squeeze3A = vector.shape_cast %slice3A_526 : vector<1x16x64xf32> to vector<16x64xf32>
    %mul3A_527 = arith.mulf %slice3A_525, %squeeze3A : vector<16x64xf32>
    %slice3A_528 = vector.extract_strided_slice %div3A_522 {offsets = [0, 0], sizes = [16, 64], strides = [1, 1]} : vector<16x192xf32> to vector<16x64xf32>
    %mul3A_529 = arith.mulf %mul3A_527, %slice3A_528 : vector<16x64xf32>
    %reduce_sum3A = arith.constant dense<0.000000e+00> : vector<16xf32>
    %reduce_sum3A_530 = vector.multi_reduction <add>, %mul3A_529, %reduce_sum3A [1] : vector<16x64xf32> to vector<16xf32>
    %broadcast_in_dim3A_531 = vector.shape_cast %reduce_sum3A_530 : vector<16xf32> to vector<16x1xf32>
    %reduce_sum3A_532 = vector.shape_cast %add3A_517 : vector<16x1xf32> to vector<1x16x1xf32>
    %reduce_sum3A_533 = arith.constant dense<0.000000e+00> : vector<1xf32>
    %reduce_sum3A_534 = vector.multi_reduction <add>, %reduce_sum3A_532, %reduce_sum3A_533 [1, 2] : vector<1x16x1xf32> to vector<1xf32>
    %reduce_sum3A_535 = vector.shape_cast %reduce_sum3A_534 : vector<1xf32> to vector<1x1x1xf32>
    %reduce_sum3A_536 = vector.extract %reduce_sum3A_535[0, 0, 0] : f32 from vector<1x1x1xf32>
    %reduce_sum3A_537 = vector.shape_cast %add3A_524 : vector<16x1xf32> to vector<1x16x1xf32>
    %reduce_sum3A_538 = arith.constant dense<0.000000e+00> : vector<1xf32>
    %reduce_sum3A_539 = vector.multi_reduction <add>, %reduce_sum3A_537, %reduce_sum3A_538 [1, 2] : vector<1x16x1xf32> to vector<1xf32>
    %reduce_sum3A_540 = vector.shape_cast %reduce_sum3A_539 : vector<1xf32> to vector<1x1x1xf32>
    %reduce_sum3A_541 = vector.extract %reduce_sum3A_540[0, 0, 0] : f32 from vector<1x1x1xf32>
    %add3A_542 = arith.addf %reduce_sum3A_536, %reduce_sum3A_541 : f32
    %log3A_543 = math.log %broadcast_in_dim3A_531 : vector<16x1xf32>
    %reduce_sum3A_544 = vector.shape_cast %log3A_543 : vector<16x1xf32> to vector<1x16x1xf32>
    %reduce_sum3A_545 = arith.constant dense<0.000000e+00> : vector<1xf32>
    %reduce_sum3A_546 = vector.multi_reduction <add>, %reduce_sum3A_544, %reduce_sum3A_545 [1, 2] : vector<1x16x1xf32> to vector<1xf32>
    %reduce_sum3A_547 = vector.shape_cast %reduce_sum3A_546 : vector<1xf32> to vector<1x1x1xf32>
    %reduce_sum3A_548 = vector.extract %reduce_sum3A_547[0, 0, 0] : f32 from vector<1x1x1xf32>
    %add3A_549 = arith.addf %add3A_542, %reduce_sum3A_548 : f32
    %add3A_550 = arith.constant 28335.8574 : f32
    %add3A_551 = arith.addf %add3A_549, %add3A_550 : f32
    %broadcast_in_dim3A_552 = vector.broadcast %add3A_551 : f32 to vector<1x1xf32>
    %swap3A_553 = arith.constant 0 : index
    %swap3A_554 = arith.constant 0 : index
    %swap3A_555 = vector.load %arg9[%swap3A_553, %swap3A_554] : memref<1x1xf32, #tpu.memory_space<vmem>>, vector<1x1xf32>
    tpu.vector_store %arg9[%swap3A_553, %swap3A_554], %broadcast_in_dim3A_552 {strides = array<i32>} : memref<1x1xf32, #tpu.memory_space<vmem>>, vector<1x1xf32>,
    return
  }
}

</mosaic_0001>

<sc_bundles>
// kernel: kernel.4.cloned.1.call-start
scs
__scs_entry_jumppad:
0x0: {  	(pc) =	sbr.rel $0x88, $3  }
0x1: {  	(tag) =	ssettag $0x0;
	lr =	simm.s32 $0x1  }
0x2: {  	[smem:$0x3F9A] =	sst lr;
	_ =	strace $0xD0000000  }
0x3: {  	_ = 	snop  }
0x4: {  	_ = 	snop  }
0x5: {  	_ = 	snop  }
0x6: {  	_ = 	snop  }
0x7: {  	_ = 	snop  }
__scs_overlays_trampoline_lowered:
0x8: {  	[smem:$0x3FA9] =	sst s0  }
0x9: {  	[smem:$0x3FAA] =	sst s1  }
0xa: {  	[smem:$0x3FAB] =	sst s2  }
0xb: {  	[smem:$0x3FAC] =	sst s3  }
0xc: {  	[smem:$0x3FAD] =	sst s4  }
0xd: {  	[smem:$0x3FAE] =	sst s5  }
0xe: {  	[smem:$0x3FAF] =	sst s6  }
0xf: {  	[smem:$0x3FB0] =	sst s7  }
0x10: {  	[smem:$0x3FB1] =	sst s8  }
0x11: {  	[smem:$0x3FB2] =	sst s9;
	s0 =	simm.s32 @!p0 $0x0  }
0x12: {  	s1 =	sld [smem:$0x3F98];
	s0 =	simm.s32 @p0 $0x1  }
0x13: {  	[smem:$0x3FB3] =	sst s0;
	s0 =	simm.s32 @!p1 $0x0  }
0x14: {  	s2 =	sld [smem:$0x3F97];
	s0 =	simm.s32 @p1 $0x1  }
0x15: {  	[smem:$0x3FB4] =	sst s0;
	s0 =	simm.s32 @!p2 $0x0  }
0x16: {  	s3 =	sld [smem:$0x3FDB];
	s0 =	simm.s32 @p2 $0x1  }
0x17: {  	s4 =	simm.s32 $0x1BF5;
	[smem:$0x3FB6] =	sst s0  }
0x18: {  	s0 =	sld [smem:$0x3F99];
	_ =	swait.ge [sflag:s4], $0x0  }
0x19: {  	s7 =	sld [smem:$0x3F9A]  }
0x1a: {  	s8 =	sadd.s32 $0xFFFFE003, lr  }
0x1b: {  	s9 =	sadd.s32 $0xFFFFFEF7, lr;
	s5 =	simm.s32 $0xFFFFFFFF;
	p2 =	slt.u32 s8, $0xFFFFF086  }
0x1c: {  	p1 =	slt.u32 s9, $0xF7A;
	s5 =	simm.s32 @!p2 $0x0  }
0x1d: {  	s5 =	simm.s32 @p1 $0x1;
	p0 =	seq.s32 s7, s2  }
0x1e: {  	s7 =	smul.u32 @!p0 $0xF7A, s2;
	p2 =	seq.s32 @!p0 s5, $0x0  }
0x1f: {  	s9 =	smul.u32 $0xF7A, s1;
	s8 =	simm.s32 @!p0 $0x1BF5;
	p2 =	por !p2, p0  }
0x20: {  	[sflag:s8] =	ssyncset.s32 @!p0 $0xFFFFF086;
	s6 =	sadd.s32 @!p0 s3, s7;
	s7 =	simm.s32 @!p0 $0x108  }
0x21: {  	s3 =	sadd.s32 s3, s9;
	s6 =	sadd.s32 @!p0 $0x88, s6;
	s7 =	simm.s32 @p2 $0x1082  }
0x22: {  	[simem:s7], [sflag:s8] =	dma.local @!p0 [hbm:s6], $0xF7A  }
0x23: {  	s9 =	sor.u32 $0xD0000000, s2;
	s6 =	simm.s32 $0x108;
	_ =	swait.ge @!p0 [sflag:s8], $0x0  }
0x24: {  	s3 =	sadd.s32 $0x88, s3;
	s6 =	simm.s32 @!p1 $0x1082;
	[sflag:s4] =	ssyncset.s32 $0xFFFFF086  }
0x25: {  	[simem:s6], [sflag:s4] =	dma.local [hbm:s3], $0xF7A  }
0x26: {  	[smem:$0x3F9A] =	sst s1;
	(tag) =	ssettag s2;
	_ =	strace s9  }
0x27: {  	s1 =	sld [smem:$0x3FAA]  }
0x28: {  	s2 =	sld [smem:$0x3FAB]  }
0x29: {  	s4 =	sld [smem:$0x3FAD]  }
0x2a: {  	p0 =	seq.s32 s5, $0x0;
	s5 =	sld [smem:$0x3FAE]  }
0x2b: {  	s6 =	sld [smem:$0x3FAF]  }
0x2c: {  	s7 =	sld [smem:$0x3FB0]  }
0x2d: {  	s3 =	simm.s32 $0x108;
	s8 =	sld [smem:$0x3FB1]  }
0x2e: {  	s3 =	simm.s32 @!p0 $0x1082;
	s9 =	sld [smem:$0x3FB2]  }
0x2f: {  	lr =	sadd.s32 s0, s3;
	s0 =	sld [smem:$0x3FA9]  }
0x30: {  	s3 =	sld [smem:$0x3FAC]  }
0x31: {  	[smem:$0x3FB5] =	sst s10  }
0x32: {  	s10 =	sld [smem:$0x3FB3];
	_ =	sdelay $0x3  }
0x33: {  	p0 =	seq.s32 s10, $0x1;
	s10 =	sld [smem:$0x3FB5];
	_ =	sdelay $0x3  }
0x34: {  	[smem:$0x3FB5] =	sst s10  }
0x35: {  	s10 =	sld [smem:$0x3FB4];
	_ =	sdelay $0x3  }
0x36: {  	p1 =	seq.s32 s10, $0x1;
	s10 =	sld [smem:$0x3FB5];
	_ =	sdelay $0x3  }
0x37: {  	[smem:$0x3FB5] =	sst s10  }
0x38: {  	s10 =	sld [smem:$0x3FB6]  }
0x39: {  	_ = 	snop;
	(pc) =	sbr.ind lr, $3  }
0x3a: {  	_ = 	snop  }
0x3b: {  	_ = 	snop  }
0x3c: {  	p2 =	seq.s32 s10, $0x1;
	s10 =	sld [smem:$0x3FB5]  }
0x3d: {  	_ =	shalt  }
0x3e: {  	_ =	shalt  }
0x3f: {  	_ =	shalt  }
0x40: {  	_ =	shalt  }
0x41: {  	_ =	shalt  }
0x42: {  	_ =	shalt  }
0x43: {  	_ =	shalt  }
0x44: {  	_ =	shalt  }
0x45: {  	_ =	shalt  }
0x46: {  	_ =	shalt  }
0x47: {  	_ =	shalt  }
0x48: {  	_ =	shalt  }
0x49: {  	_ =	shalt  }
0x4a: {  	_ =	shalt  }
0x4b: {  	_ =	shalt  }
0x4c: {  	_ =	shalt  }
0x4d: {  	_ =	shalt  }
0x4e: {  	_ =	shalt  }
0x4f: {  	_ =	shalt  }
0x50: {  	_ =	shalt  }
0x51: {  	_ =	shalt  }
0x52: {  	_ =	shalt  }
0x53: {  	_ =	shalt  }
0x54: {  	_ =	shalt  }
0x55: {  	_ =	shalt  }
0x56: {  	_ =	shalt  }
0x57: {  	_ =	shalt  }
0x58: {  	_ =	shalt  }
0x59: {  	_ =	shalt  }
0x5a: {  	_ =	shalt  }
0x5b: {  	_ =	shalt  }
0x5c: {  	_ =	shalt  }
0x5d: {  	_ =	shalt  }
0x5e: {  	_ =	shalt  }
0x5f: {  	_ =	shalt  }
0x60: {  	_ =	shalt  }
0x61: {  	_ =	shalt  }
0x62: {  	_ =	shalt  }
0x63: {  	_ =	shalt  }
0x64: {  	_ =	shalt  }
0x65: {  	_ =	shalt  }
0x66: {  	_ =	shalt  }
0x67: {  	_ =	shalt  }
0x68: {  	_ =	shalt  }
0x69: {  	_ =	shalt  }
0x6a: {  	_ =	shalt  }
0x6b: {  	_ =	shalt  }
0x6c: {  	_ =	shalt  }
0x6d: {  	_ =	shalt  }
0x6e: {  	_ =	shalt  }
0x6f: {  	_ =	shalt  }
0x70: {  	_ =	shalt  }
0x71: {  	_ =	shalt  }
0x72: {  	_ =	shalt  }
0x73: {  	_ =	shalt  }
0x74: {  	_ =	shalt  }
0x75: {  	_ =	shalt  }
0x76: {  	_ =	shalt  }
0x77: {  	_ =	shalt  }
0x78: {  	_ =	shalt  }
0x79: {  	_ =	shalt  }
0x7a: {  	_ =	shalt  }
0x7b: {  	_ =	shalt  }
0x7c: {  	_ =	shalt  }
0x7d: {  	_ =	shalt  }
0x7e: {  	_ =	shalt  }
0x7f: {  	_ =	shalt  }
0x80: {  	_ =	shalt  }
0x81: {  	_ =	shalt  }
0x82: {  	_ =	shalt  }
0x83: {  	_ =	shalt  }
0x84: {  	_ =	shalt  }
0x85: {  	_ =	shalt  }
0x86: {  	_ =	shalt  }
0x87: {  	_ =	shalt  }
.Lfunc_end0:
.L_simem_size_0:
called_computation_lowered:
.L_overlay_start_0:
0x88: {  	s2 =	sld [smem:$0x3FD9]  }
0x89: {  	s3 =	sld [smem:$0x3FFE];
	_ =	sdelay $0x1  }
0x8a: {  	s1 =	srdreg.scid  }
0x8b: {  	s0 =	sand.u32 $0x1, s1  }
0x8c: {  	s17 =	sshll.u32 s0, $0xA;
	s2 =	sadd.s32 s3, s2  }
0x8d: {  	s2 =	sadd.s32 s2, s17  }
0x8e: {  	[smem:$0x3FC1] =	sst s2  }
0x8f: {  	_ = 	snop  }
0x90: {  	s2 =	sld [smem:$0x3FC8]  }
0x91: {  	s18 =	sld [smem:$0x3FC7]  }
0x92: {  	s4 =	sld [smem:$0x3FC6]  }
0x93: {  	s5 =	sld [smem:$0x3FC5];
	(tm) =	ssettm $0x1  }
0x94: {  	s6 =	sld [smem:$0x3FFB];
	_ =	sdelay $0x3  }
0x95: {  	_ =	strace s6  }
0x96: {  	s6 =	sld [smem:$0x3FFC];
	_ =	sdelay $0x3  }
0x97: {  	_ =	strace s6  }
0x98: {  	s6 =	sld [smem:$0x3FFD];
	_ =	sdelay $0x3  }
0x99: {  	_ =	strace s6  }
0x9a: {  	_ =	strace $0x8FFFFFFF  }
0x9b: {  	s19 =	sld [smem:$0x3FDB];
	_ =	sdelay $0x1  }
0x9c: {  	s7 =	simm.s32 $_scs_section_size  }
0x9d: {  	s8 =	simm.s32 $_size__tile_overlayer_lowered;
	s9 =	simm.s32 $_tile_overlayer_lowered  }
0x9e: {  	s22 =	simm.s32 $0x1BFF;
	s21 =	sshll.u32 s9, $0x1;
	s6 =	sadd.s32 s7, s19  }
0x9f: {  	s10 =	simm.s32 $0x0;
	s20 =	sshll.u32 s8, $0x1;
	s8 =	sadd.s32 s21, s6  }
0xa0: {  	[timem:s10], [sflag:s22] =	dma.local [hbm:s8], s20  }
0xa1: {  	_ =	swait.ge [sflag:s22], s20  }
0xa2: {  	s7 =	ssub.s32 $0x0, s20;
	[sflag:s22] =	ssyncset.done $0x0  }
0xa3: {  	[sflag:s22] =	ssyncadd.s32 s7;
	_ =	sdelay $0x1  }
0xa4: {  	s23 =	simm.s32 $0x1B8B  }
0xa5: {  	_ =	swait.ge [sflag:s23], $0x1  }
0xa6: {  	[sflag:s23] =	ssyncset.done $0x0  }
0xa7: {  	s25 =	simm.s32 $0x1B8E;
	s24 =	sld [smem:$0x3FFE];
	[sflag:s23] =	ssyncadd.s32 $0xFFFFFFFF  }
0xa8: {  	s26 =	simm.s32 $execute0_lowered;
	[smem:$0x3FD2] =	sst s25  }
0xa9: {  	s8 =	sshll.u32 s26, $0x1;
	_ =	strace $0x80000046;
	[dreg:$0x1] =	wrdreg $0xFFFFFFFF  }
0xaa: {  	s28 =	simm.s32 $_size_execute0_lowered;
	s6 =	sadd.s32 s6, s8;
	[dreg:$0x0] =	wrdreg $0x0  }
0xab: {  	s8 =	sshll.u32 s28, $0x1;
	[dreg:$0x2] =	wrdreg s6  }
0xac: {  	[dreg:$0x3] =	wrdreg s8  }
0xad: {  	[dreg:$0x4] =	wrdreg $0xC0  }
0xae: {  	_ =	task [dreg:s10], $0x5FFFF  }
0xaf: {  	[dreg:$0x1] =	wrdreg $0xFFFFFFFF  }
0xb0: {  	[dreg:$0x0] =	wrdreg $0x60  }
0xb1: {  	[dreg:$0x2] =	wrdreg s2  }
0xb2: {  	[dreg:$0x3] =	wrdreg s18  }
0xb3: {  	[dreg:$0x4] =	wrdreg s24  }
0xb4: {  	[dreg:$0x5] =	wrdreg s4  }
0xb5: {  	[dreg:$0x6] =	wrdreg s5  }
0xb6: {  	[dreg:$0x7] =	wrdreg $0x9  }
0xb7: {  	_ =	task.clear_ibuf [dreg:s10], $0x8FFFF;
	_ =	strace $0x90000046  }
0xb8: {  	s29 =	simm.s32 $0x9;
	_ =	strace $0x80000048  }
0xb9: {  	_ =	swait.ge [sflag:s29], $0x1  }
0xba: {  	[sflag:s29] =	ssyncadd.s32 $0xFFFFFFFF  }
0xbb: {  	_ =	strace $0x90000048  }
0xbc: {  	_ =	sfence  }
0xbd: {  	s30 =	sld [smem:$0x0];
	_ =	sdelay $0x2  }
0xbe: {  	s31 =	sshll.u32 s1, $0xD;
	s1 =	sshrl.u32 s1, $0x2  }
0xbf: {  	s3 =	sand.u32 $0x4000, s31;
	s1 =	sadd.s32 s1, s30  }
0xc0: {  	s0 =	sor.u32 s3, s0;
	s1 =	sshll.u32 s1, $0x11  }
0xc1: {  	s0 =	sor.u32 s1, s0  }
0xc2: {  	s0 =	sadd.s32 $0x8F2B, s0  }
0xc3: {  	[sflag:s0] =	ssyncadd.remote.s32 $0x1  }
0xc4: {  	_ =	sfence.sel $0xFFFF  }
0xc5: {  	[dreg:$0x0] =	wrdreg $0xFFFFFFFF;
	(pc) =	sbr.abs _section_cstart, $3  }
0xc6: {  	[dreg:$0x1] =	wrdreg $0xFFFFFFFF  }
0xc7: {  	_ =	task.clear_ibuf [dreg:s10], $0x2FFFF;
	_ =	strace $0x9FFFFFFF  }
0xc8: {  	(tm) =	ssettm $0x7FFFFFFF  }
0xc9: {  	_ =	shalt  }
tec
execute0_lowered:
.L_overlay_start_1:
0x0: {  	(tag) =	ssettag $0x1  }
0x1: {  	s11 =	rddreg [dreg:$0x0];
	s1 =	stileid.u32  }
0x2: {  	s7 =	rddreg [dreg:$0x1];
	p0 =	sgt.u32 s1, $0x7  }
.Ltmp0:
0x3: {  	s8 =	rddreg [dreg:$0x2];
	(pc) =	sbr.rel @p0 .LBB2_5-.Ltmp0, $4  }
0x4: {  	s2 =	rddreg [dreg:$0x3]  }
0x5: {  	s3 =	rddreg [dreg:$0x4];
	s4 =	simm.s32 $0x0  }
0x6: {  	[smem:$0x7FF] =	sst s4  }
0x7: {  	s0 =	rddreg [dreg:$0x5];
	_ =	strace $0x80000047  }
0x8: {  	v0 =	vimm.s32 $0xEDCBA987;
	v1 =	vimm.s32 $0x65432100;
	v3 =	vimm.s32 $0xDCBA9876  }
0x9: {  	s5 =	srdreg.scid;
	s28 =	sshll.u32 s1, $0x1;
	v4 =	vimm.s32 $0x54321000;
	v5 =	vimm.s32 $0xBA987654;
	v6 =	vimm.s32 $0xE40000  }
0xa: {  	s10 =	sshrl.u32 s1, $0x2;
	v7 =	vimm.s32 $0x32100000;
	vm0 =	vmmov $0x3;
	s15 =	simm.s32 $0x1;
	s16 =	simm.s32 $0x100;
	vm1 =	vmmov $0xf  }
0xb: {  	s17 =	simm.s32 $0x4400;
	vm2 =	vcmask $0x3F30;
	s18 =	simm.s32 $0x8400;
	s19 =	simm.s32 $0x9400;
	vm3 =	vmmov $0x1;
	v8 =	vimm.s32 $0xF  }
0xc: {  	s20 =	simm.s32 $0xA400;
	s21 =	simm.s32 $0xA480;
	s22 =	simm.s32 $0xA500;
	v0 =	vunpack.c.l.s4.s8 v0;
	v1 =	vunpack.c.l.s4.s8 v1;
	v3 =	vunpack.c.l.s4.s8 v3  }
0xd: {  	s23 =	simm.s32 $0x0;
	s9 =	sand.u32 $0x1, s5;
	v4 =	vunpack.c.l.s4.s8 v4;
	s13 =	sshll.u32 s10, $0xA;
	v5 =	vunpack.c.l.s4.s8 v5;
	v6 =	vunpack.c.l.s2.s4 v6  }
0xe: {  	s10 =	sshll.u32 s10, $0xC;
	v7 =	vunpack.c.l.s4.s8 v7;
	s5 =	sor.u32 s9, s28;
	s30 =	ssub.s32 $0x2, s9;
	v2 =	vunpack.c.0.s8.s32 v0;
	v3 =	vunpack.c.0.s8.s32 v3  }
0xf: {  	s6 =	sshll.u32 s5, $0x7;
	s5 =	sshll.u32 s5, $0xC;
	v1 =	vunpack.c.0.s8.s32 v1;
	v4 =	vunpack.c.0.s8.s32 v4;
	v5 =	vunpack.c.0.s8.s32 v5;
	s31 =	sshrl.u32 s30, $0x1  }
0x10: {  	v6 =	vunpack.c.l.s4.s8 v6;
	s6 =	sand.u32 $0x380, s6;
	s12 =	sadd.s32 s5, s8;
	s5 =	sadd.s32 $0x10E00, s8;
	v2 =	vand.u32 $0xF, v2;
	v3 =	vand.u32 $0xF, v3  }
0x11: {  	s13 =	sor.u32 s13, s6;
	s10 =	sor.u32 s10, s6;
	s6 =	sadd.s32 $0x11000, s8;
	v5 =	vand.u32 $0xF, v5;
	v3 =	vcombine.low v4, v3;
	v4 =	vunpack.c.0.s8.s32 v7  }
0x12: {  	s9 =	sadd.s32 $0xE10, s12;
	v6 =	vunpack.c.0.s8.s32 v6;
	s13 =	sshrl.u32 s13, $0x3;
	s14 =	sshrl.u32 s10, $0x3;
	v1 =	vcombine.low v1, v2;
	v7 =	vimm.s32 $0x7060504  }
0x13: {  	v2 =	vlaneseq.u32;
	s29 =	sadd.s32 s13, s8;
	s7 =	sadd.s32 s7, s14;
	s8 =	sadd.s32 $0xE00, s12;
	v4 =	vcombine.low v4, v5;
	v5 =	vunpack.c.0.s8.s32 v7  }
0x14: {  	v0 =	vimm.s32 $0x0;
	s12 =	ssub.s32 s30, s31;
	s11 =	sadd.s32 s11, s14;
	s13 =	simm.s32 $0x80;
	v6 =	vand.u32 $0x3, v6;
	v7 =	vmul.u32 $0x40, v2  }
0x15: {  	s14 =	simm.s32 $0x400;
	s10 =	sadd.s32 $0x11200, s29;
	s12 =	smax.u32 s12, $0x1;
	v5 =	vsel vm2, v5, v6;
	vm2 =	vmmov $0xff;
	v6 =	vimm.f32 $1.000000000e+00  }
.LBB2_2:
0x16: {  	s24 =	simm.s32 $0x0  }
0x17: {  	[tilespmem:s24], [sflag:$0x1] =	stream.strided.gather [hbm4b:s11+s13], $0x200, s14, s13, $0x38;
	[tilespmem:$0xA580] =	vst v63  }
0x18: {  	_ =	swait.ge [sflag:s15], $0x200  }
0x19: {  	[sflag:s15] =	ssyncset.done $0x0  }
0x1a: {  	s25 =	simm.s32 $0x200;
	[sflag:s15] =	ssyncadd.s32 $0xFFFFFE00  }
0x1b: {  	[tilespmem:s25], [sflag:$0x1] =	stream.strided.gather [hbm4b:s7+s13], $0x200, s14, s13, $0x38;
	[tilespmem:$0xA580] =	vst v63  }
0x1c: {  	_ =	swait.ge [sflag:s15], $0x200  }
0x1d: {  	[sflag:s15] =	ssyncset.done $0x0  }
0x1e: {  	[sflag:s15] =	ssyncadd.s32 $0xFFFFFE00  }
0x1f: {  	[tilespmem:s14], [sflag:$0x1] =	stream.strided.gather [hbm4b:s8+s13], $0x4000, s16, s13, $0x38;
	[tilespmem:$0xA580] =	vst v63  }
0x20: {  	_ =	swait.ge [sflag:s15], $0x4000  }
0x21: {  	[sflag:s15] =	ssyncset.done $0x0  }
0x22: {  	[sflag:s15] =	ssyncadd.s32 $0xFFFFC000  }
0x23: {  	[tilespmem:s17], [sflag:$0x1] =	stream.strided.gather [hbm4b:s9+s13], $0x4000, s16, s13, $0x38;
	[tilespmem:$0xA580] =	vst v63  }
0x24: {  	_ =	swait.ge [sflag:s15], $0x4000  }
0x25: {  	[sflag:s15] =	ssyncset.done $0x0  }
0x26: {  	[sflag:s15] =	ssyncadd.s32 $0xFFFFC000  }
0x27: {  	[tilespmem:s18], [sflag:$0x1] =	stream.linear.gather [hbm4b:s5+s24], $0x1000, $0x38;
	[tilespmem:$0xA580] =	vst v63  }
0x28: {  	_ =	swait.ge [sflag:s15], $0x1000  }
0x29: {  	[sflag:s15] =	ssyncset.done $0x0  }
0x2a: {  	[sflag:s15] =	ssyncadd.s32 $0xFFFFF000  }
0x2b: {  	[tilespmem:s19], [sflag:$0x1] =	stream.linear.gather [hbm4b:s6+s24], $0x1000, $0x38;
	[tilespmem:$0xA580] =	vst v63  }
0x2c: {  	_ =	swait.ge [sflag:s15], $0x1000  }
0x2d: {  	[sflag:s15] =	ssyncset.done $0x0  }
0x2e: {  	[sflag:s15] =	ssyncadd.s32 $0xFFFFF000  }
0x2f: {  	[tilespmem:s20], [sflag:$0x1] =	stream.linear.gather [hbm4b:s2+s24], $0x80, $0x38;
	[tilespmem:$0xA580] =	vst v63  }
0x30: {  	_ =	swait.ge [sflag:s15], $0x80  }
0x31: {  	[sflag:s15] =	ssyncset.done $0x0  }
0x32: {  	[sflag:s15] =	ssyncadd.s32 $0xFFFFFF80  }
0x33: {  	[tilespmem:s21], [sflag:$0x1] =	stream.linear.gather [hbm4b:s3+s24], $0x80, $0x38;
	[tilespmem:$0xA580] =	vst v63  }
0x34: {  	_ =	swait.ge [sflag:s15], $0x80  }
0x35: {  	[sflag:s15] =	ssyncset.done $0x0  }
0x36: {  	[sflag:s15] =	ssyncadd.s32 $0xFFFFFF80  }
0x37: {  	v10 =	vld [tilespmem:s24+$0x0]  }
0x38: {  	v9 =	vld [tilespmem:s25+$0x0];
	_ =	sdelay $0x4  }
0x39: {  	vm4 =	vne.s32 v9, $0x0;
	v16 =	vperm.xlane v10, v1;
	vm5 =	veq.s32 v9, $0x0  }
0x3a: {  	v11 =	vsel vm5, $0x1, v0;
	v12 =	vsel vm4, $0x1, v0;
	vm4 =	veq.s32 v2, $0x0  }
0x3b: {  	v13 =	vsel vm4, $0x0, v16;
	v14 =	vperm.xlane v11, v1;
	v15 =	vperm.xlane v12, v1  }
0x3c: {  	v17 =	vsel vm5, v10, v13;
	v13 =	vsel vm5, v13, v10  }
0x3d: {  	v14 =	vsel vm4, $0x0, v14;
	v18 =	vperm.xlane v17, v3;
	v15 =	vsel vm4, $0x0, v15  }
0x3e: {  	v19 =	vperm.xlane v13, v3;
	vm6 =	vgt.s32 v11, v14;
	vm7 =	vgt.s32 v12, v15  }
0x3f: {  	v18 =	vsel vm0, $0x0, v18;
	v11 =	vsel vm6, v11, v14;
	v12 =	vsel vm7, v12, v15  }
0x40: {  	vm6 =	veq.s32 v11, $0x1;
	v14 =	vperm.xlane v11, v3;
	v15 =	vperm.xlane v12, v3  }
0x41: {  	v19 =	vsel vm0, $0x0, v19;
	v17 =	vsel vm6, v17, v18;
	vm6 =	veq.s32 v12, $0x1  }
0x42: {  	v14 =	vsel vm0, $0x0, v14;
	v13 =	vsel vm6, v13, v19;
	v15 =	vsel vm0, $0x0, v15  }
0x43: {  	v18 =	vperm.xlane v17, v4;
	vm6 =	vgt.s32 v11, v14;
	vm7 =	vgt.s32 v12, v15  }
0x44: {  	v19 =	vperm.xlane v13, v4;
	v11 =	vsel vm6, v11, v14;
	v12 =	vsel vm7, v12, v15  }
0x45: {  	v14 =	vperm.xlane v11, v4;
	v15 =	vperm.xlane v12, v4  }
0x46: {  	v20 =	vld [tilespmem:$0x200];
	v18 =	vsel vm1, $0x0, v18;
	vm6 =	veq.s32 v11, $0x1;
	v19 =	vsel vm1, $0x0, v19  }
0x47: {  	vm7 =	veq.s32 v12, $0x1;
	v14 =	vsel vm1, $0x0, v14;
	v15 =	vsel vm1, $0x0, v15  }
0x48: {  	v17 =	vsel vm6, v17, v18;
	vm6 =	vgt.s32 v11, v14;
	vm8 =	vgt.s32 v12, v15  }
0x49: {  	v18 =	vperm.xlane v17, v5;
	v11 =	vsel vm6, v11, v14;
	v12 =	vsel vm8, v12, v15  }
0x4a: {  	v13 =	vsel vm7, v13, v19;
	v19 =	vld [tilespmem:$0x0];
	v14 =	vperm.xlane v11, v5;
	v15 =	vperm.xlane v12, v5  }
0x4b: {  	v20 =	vperm.xlane v20, v0;
	v21 =	vperm.xlane v13, v5;
	v18 =	vsel vm2, $0x0, v18  }
0x4c: {  	vm6 =	veq.s32 v11, $0x1;
	v14 =	vsel vm2, $0x0, v14;
	v22 =	vsel vm2, $0x0, v15  }
0x4d: {  	v15 =	vsel vm6, v17, v18;
	vm6 =	vgt.s32 v11, v14;
	vm7 =	vgt.s32 v12, v22  }
0x4e: {  	vm8 =	veq.s32 v12, $0x1;
	v23 =	vsel vm6, v11, v14;
	v22 =	vsel vm7, v12, v22  }
0x4f: {  	v12 =	vsel vm2, $0x0, v21;
	v11 =	vperm.xlane v19, v0;
	v19 =	vperm.xlane v15, v1  }
0x50: {  	s25 =	simm.s32 $0x210;
	v14 =	vperm.xlane v23, v1;
	v17 =	vperm.xlane v22, v1;
	v18 =	vsel vm8, v13, v12  }
0x51: {  	vm6 =	vmmov vm5;
	v12 =	vld [tilespmem:s25+$0x0];
	v13 =	vperm.xlane v18, v1;
	v16 =	vsel vm3, v11, v16  }
0x52: {  	v28 =	vsel vm4, $0x0, v14;
	v29 =	vsel vm4, $0x0, v17;
	v16 =	vshll.u32 v16, $0x6  }
0x53: {  	s26 =	simm.s32 $0x10;
	vm5 =	veq.s32 v28, $0x1;
	vm7 =	veq.s32 v29, $0x1;
	v26 =	vadd.s32 v10, v16  }
0x54: {  	v14 =	vld [tilespmem:s26+$0x0];
	v17 =	vsel vm5, v19, v0;
	v13 =	vsel vm7, v13, v0;
	v19 =	vmov s24  }
0x55: {  	v17 =	vsel vm3, v0, v17;
	v21 =	vsel vm3, v0, v13;
	v19 =	vshll.u32 v19, $0x6  }
0x56: {  	v13 =	vimm.f32 $0.0e+00;
	vm8 =	vne.s32 v12, $0x0;
	vm7 =	veq.s32 v12, $0x0  }
0x57: {  	v17 =	vsel vm6, v17, v21;
	v19 =	vor.u32 v7, v19;
	v21 =	vperm.xlane v9, v1  }
0x58: {  	v31 =	vsel vm7, $0x1, v0;
	v30 =	vsel vm8, $0x1, v0;
	v17 =	vshll.u32 v17, $0x6  }
0x59: {  	v24 =	vadd.s32 v19, v10;
	v19 =	vperm.xlane v14, v1;
	v17 =	vadd.s32 v10, v17  }
0x5a: {  	v34 =	vperm.xlane v31, v1;
	vm5 =	vlt.s32 v24, $0x4000;
	vm9 =	vlt.s32 v24, $0x3FFF  }
0x5b: {  	v16 =	vadd.s32 $0xFFFFC000, v24;
	v32 =	vsel vm3, v20, v21;
	v21 =	vimm.s32 $0x0  }
0x5c: {  	v20 =	vimm.s32 $0x0;
	v24 =	vnsel vm9, $0x3FFF, v24;
	vm8 =	vgt.s32 v16, $0x0  }
0x5d: {  	v33 =	vsel vm4, $0x0, v19;
	vm9 =	vgt.s32 v29, v0;
	v25 =	vnsel vm8, $0x0, v16  }
0x5e: {  	s28 =	simm.s32 $0x20;
	s24 =	simm.s32 $0x10;
	vm8 =	vgt.s32 v28, v0;
	v16 =	vimm.s32 $0x0;
	v27 =	vld.idx.msk [tilespmem:v17+s18+$0x0], $0xffff;
	v17 =	vimm.s32 $0x0  }
.LBB2_3:
0x5f: {  	p0 =	sne.s32 s28, $0x1F0;
	v35 =	vperm.xlane v30, v1;
	v28 =	vsel vm8, v28, v16;
	v29 =	vsel vm9, v29, v17;
	v26 =	vld.idx.msk [tilespmem:v26+s19+$0x0], $0xffff  }
0x60: {  	v36 =	vsel vm7, v14, v33;
	v28 =	vsel vm6, v28, v29;
	vm6 =	veq.s32 v9, v32  }
0x61: {  	v29 =	vsel vm7, v33, v14;
	v28 =	vcvt.s32.f32 v28;
	v32 =	vsel vm6, $0x0, v6;
	v24 =	vld.idx.msk [tilespmem:v24+s14+$0x0], $0xffff  }
0x62: {  	v33 =	vsel vm4, $0x0, v34;
	v34 =	vperm.xlane v36, v3;
	v37 =	vperm.xlane v29, v3;
	v25 =	vld.idx.msk [tilespmem:v25+s17+$0x0], $0xffff  }
0x63: {  	vm6 =	vgt.s32 v31, v33;
	v35 =	vsel vm4, $0x0, v35;
	v27 =	vmul.f32 v28, v27  }
0x64: {  	vm8 =	vgt.s32 v30, v35;
	v28 =	vsel vm0, $0x0, v34;
	v34 =	vsel vm0, $0x0, v37  }
0x65: {  	v31 =	vsel vm6, v31, v33;
	v26 =	vmul.f32 v32, v26;
	v13 =	vadd.f32 v27, v13  }
0x66: {  	v32 =	vperm.xlane v22, v8;
	v27 =	vsel vm8, v30, v35;
	v30 =	vperm.xlane v23, v8  }
0x67: {  	vm6 =	veq.s32 v31, $0x1;
	v22 =	vperm.xlane v31, v3;
	v13 =	vadd.f32 v13, v26  }
0x68: {  	vm8 =	vgt.s32 v17, v32;
	v23 =	vsel vm5, v24, v25;
	vm5 =	vgt.s32 v16, v30  }
0x69: {  	v17 =	vsel vm8, v17, v32;
	v16 =	vsel vm5, v16, v30;
	v13 =	vadd.f32 v13, v23  }
0x6a: {  	v24 =	vperm.xlane v27, v3;
	vm5 =	veq.s32 v27, $0x1;
	v23 =	vsel vm6, v36, v28  }
0x6b: {  	v22 =	vsel vm0, $0x0, v22;
	v25 =	vsel vm5, v29, v34;
	v26 =	vperm.xlane v23, v4  }
0x6c: {  	vm5 =	vgt.s32 v31, v22;
	v24 =	vsel vm0, $0x0, v24;
	v28 =	vperm.xlane v25, v4  }
0x6d: {  	v22 =	vsel vm5, v31, v22;
	vm5 =	vgt.s32 v27, v24;
	v26 =	vsel vm1, $0x0, v26  }
0x6e: {  	v24 =	vsel vm5, v27, v24;
	vm5 =	veq.s32 v22, $0x1;
	v27 =	vsel vm1, $0x0, v28  }
0x6f: {  	v28 =	vperm.xlane v22, v4;
	vm6 =	veq.s32 v24, $0x1;
	v29 =	vperm.xlane v24, v4  }
0x70: {  	v23 =	vsel vm5, v23, v26;
	v25 =	vsel vm6, v25, v27;
	vm6 =	vmmov vm7  }
0x71: {  	v26 =	vsel vm1, $0x0, v28;
	v27 =	vsel vm1, $0x0, v29;
	v28 =	vperm.xlane v23, v5  }
0x72: {  	v29 =	vperm.xlane v25, v5;
	vm5 =	vgt.s32 v22, v26;
	vm7 =	vgt.s32 v24, v27  }
0x73: {  	v22 =	vsel vm5, v22, v26;
	v24 =	vsel vm7, v24, v27;
	v26 =	vsel vm2, $0x0, v28  }
0x74: {  	vm5 =	veq.s32 v22, $0x1;
	v27 =	vperm.xlane v22, v5;
	v28 =	vperm.xlane v24, v5  }
0x75: {  	v23 =	vsel vm5, v23, v26;
	vm5 =	veq.s32 v24, $0x1;
	v26 =	vsel vm2, $0x0, v29  }
0x76: {  	v31 =	vperm.xlane v15, v8;
	v27 =	vsel vm2, $0x0, v27;
	v28 =	vsel vm2, $0x0, v28;
	v15 =	vmovc v23  }
0x77: {  	v33 =	vperm.xlane v18, v8;
	vm7 =	vgt.s32 v22, v27;
	vm8 =	vgt.s32 v24, v28  }
0x78: {  	v23 =	vsel vm7, v22, v27;
	v22 =	vsel vm8, v24, v28;
	v24 =	vperm.xlane v15, v1  }
0x79: {  	v18 =	vsel vm5, v25, v26;
	v25 =	vperm.xlane v23, v1;
	v26 =	vperm.xlane v22, v1  }
0x7a: {  	vm5 =	veq.s32 v30, $0x1;
	v27 =	vperm.xlane v18, v1;
	vm7 =	veq.s32 v32, $0x1  }
0x7b: {  	s26 =	sadd.s32 $0x10, s26;
	v21 =	vsel vm5, v31, v21;
	v28 =	vsel vm4, $0x0, v25;
	v29 =	vsel vm4, $0x0, v26  }
0x7c: {  	s25 =	sadd.s32 $0x10, s25;
	v20 =	vsel vm7, v33, v20;
	vm5 =	veq.s32 v28, $0x1;
	vm8 =	veq.s32 v29, $0x1;
	v25 =	vld [tilespmem:s26+$0x0]  }
0x7d: {  	v30 =	vmov s24;
	s24 =	smov.u32 s28;
	v24 =	vsel vm5, v24, v21;
	v27 =	vsel vm8, v27, v20;
	v26 =	vld [tilespmem:s25+$0x0]  }
0x7e: {  	v30 =	vshll.u32 v30, $0x6;
	v24 =	vsel vm3, v21, v24;
	v27 =	vsel vm3, v20, v27  }
0x7f: {  	v24 =	vsel vm6, v24, v27;
	v27 =	vor.u32 v7, v30;
	v30 =	vperm.xlane v10, v8;
	v10 =	vmovc v14  }
0x80: {  	v34 =	vperm.xlane v9, v8;
	v9 =	vmovc v12;
	v32 =	vperm.xlane v12, v1;
	v31 =	vshll.u32 v24, $0x6  }
0x81: {  	v24 =	vadd.s32 v27, v10;
	v30 =	vsel vm3, v30, v19;
	v35 =	vadd.s32 v10, v31;
	v14 =	vmovc v25  }
0x82: {  	v25 =	vshll.u32 v30, $0x6;
	vm8 =	vne.s32 v26, $0x0;
	v19 =	vperm.xlane v14, v1;
	v12 =	vmovc v26  }
.Ltmp1:
0x83: {  	vm5 =	vlt.s32 v24, $0x4000;
	v26 =	vadd.s32 v10, v25;
	vm7 =	veq.s32 v12, $0x0;
	(pc) =	sbr.rel @p0 .LBB2_3-.Ltmp1, $4  }
0x84: {  	vm9 =	vlt.s32 v24, $0x3FFF;
	v25 =	vadd.s32 $0xFFFFC000, v24;
	v31 =	vsel vm7, $0x1, v0  }
0x85: {  	v24 =	vnsel vm9, $0x3FFF, v24;
	v30 =	vsel vm8, $0x1, v0;
	vm8 =	vgt.s32 v25, $0x0  }
0x86: {  	v32 =	vsel vm3, v34, v32;
	v33 =	vsel vm4, $0x0, v19;
	v25 =	vnsel vm8, $0x0, v25;
	v27 =	vld.idx.msk [tilespmem:v35+s18+$0x0], $0xffff  }
0x87: {  	s28 =	sadd.s32 $0x10, s28;
	vm9 =	vgt.s32 v29, v17;
	vm8 =	vgt.s32 v28, v16;
	v34 =	vperm.xlane v31, v1  }
0x88: {  	v35 =	vperm.xlane v30, v1  }
0x89: {  	v28 =	vsel vm8, v28, v16;
	v29 =	vsel vm9, v29, v17;
	v36 =	vsel vm7, v14, v33  }
0x8a: {  	v54 =	vsel vm7, v33, v14;
	v23 =	vperm.xlane v23, v8;
	v22 =	vperm.xlane v22, v8  }
0x8b: {  	vm8 =	veq.s32 v9, v32;
	v15 =	vperm.xlane v15, v8;
	v18 =	vperm.xlane v18, v8  }
0x8c: {  	v50 =	vmov s24;
	v28 =	vsel vm6, v28, v29;
	v55 =	vsel vm4, $0x0, v34  }
0x8d: {  	v56 =	vperm.xlane v36, v3;
	vm15 =	vgt.s32 v31, v55;
	v57 =	vsel vm4, $0x0, v35  }
0x8e: {  	v37 =	vperm.xlane v54, v3;
	v31 =	vsel vm15, v31, v55;
	vm10 =	vgt.s32 v30, v57  }
0x8f: {  	v58 =	vsel vm0, $0x0, v56;
	v30 =	vsel vm10, v30, v57;
	v60 =	vperm.xlane v31, v3  }
0x90: {  	v59 =	vsel vm0, $0x0, v37;
	vm11 =	veq.s32 v31, $0x1;
	v61 =	vperm.xlane v30, v3  }
0x91: {  	v33 =	vsel vm11, v36, v58;
	vm12 =	veq.s32 v30, $0x1;
	v32 =	vsel vm0, $0x0, v60  }
0x92: {  	v29 =	vsel vm12, v54, v59;
	v62 =	vperm.xlane v33, v4;
	v35 =	vsel vm0, $0x0, v61  }
0x93: {  	vm13 =	vgt.s32 v31, v32;
	v63 =	vperm.xlane v29, v4;
	vm14 =	vgt.s32 v30, v35  }
0x94: {  	v31 =	vsel vm13, v31, v32;
	v38 =	vsel vm1, $0x0, v62;
	v30 =	vsel vm14, v30, v35  }
0x95: {  	vm15 =	veq.s32 v31, $0x1;
	v40 =	vperm.xlane v31, v4;
	v41 =	vperm.xlane v30, v4  }
0x96: {  	v39 =	vsel vm1, $0x0, v63;
	vm12 =	veq.s32 v30, $0x1;
	v32 =	vsel vm15, v33, v38  }
0x97: {  	v29 =	vsel vm12, v29, v39;
	v42 =	vsel vm1, $0x0, v40;
	v33 =	vsel vm1, $0x0, v41  }
0x98: {  	v43 =	vperm.xlane v32, v5;
	vm13 =	vgt.s32 v31, v42;
	vm14 =	vgt.s32 v30, v33  }
0x99: {  	v44 =	vperm.xlane v29, v5;
	v31 =	vsel vm13, v31, v42;
	v30 =	vsel vm14, v30, v33  }
0x9a: {  	vm6 =	vmmov vm7;
	v45 =	vperm.xlane v31, v5;
	v46 =	vperm.xlane v30, v5  }
0x9b: {  	v35 =	vsel vm2, $0x0, v43;
	vm7 =	veq.s32 v31, $0x1;
	v34 =	vsel vm2, $0x0, v44  }
0x9c: {  	vm14 =	veq.s32 v23, $0x1;
	v33 =	vsel vm2, $0x0, v45;
	v47 =	vsel vm2, $0x0, v46  }
0x9d: {  	v32 =	vsel vm7, v32, v35;
	vm12 =	vgt.s32 v31, v33;
	vm13 =	vgt.s32 v30, v47  }
0x9e: {  	vm15 =	veq.s32 v30, $0x1;
	v31 =	vsel vm12, v31, v33;
	v30 =	vsel vm13, v30, v47  }
0x9f: {  	v15 =	vsel vm14, v15, v21;
	v31 =	vperm.xlane v31, v1;
	v30 =	vperm.xlane v30, v1  }
0xa0: {  	v32 =	vperm.xlane v32, v1;
	v29 =	vsel vm15, v29, v34;
	vm15 =	veq.s32 v22, $0x1  }
0xa1: {  	v29 =	vperm.xlane v29, v1;
	v31 =	vsel vm4, $0x0, v31;
	v30 =	vsel vm4, $0x0, v30  }
0xa2: {  	v18 =	vsel vm15, v18, v20;
	vm4 =	veq.s32 v31, $0x1;
	vm12 =	veq.s32 v30, $0x1  }
0xa3: {  	v10 =	vperm.xlane v10, v8;
	v48 =	vsel vm4, v32, v15;
	v49 =	vsel vm12, v29, v18  }
0xa4: {  	v28 =	vcvt.s32.f32 v28;
	v54 =	vld [tilespmem:$0x1F0];
	v15 =	vsel vm3, v15, v48;
	v18 =	vsel vm3, v18, v49  }
0xa5: {  	v51 =	vsel vm8, $0x0, v6;
	v52 =	vshll.u32 v50, $0x6;
	v15 =	vsel vm6, v15, v18  }
0xa6: {  	v10 =	vsel vm3, v10, v19;
	v57 =	vmul.f32 v28, v27;
	v15 =	vshll.u32 v15, $0x6  }
0xa7: {  	v53 =	vor.u32 v7, v52;
	v10 =	vshll.u32 v10, $0x6;
	v15 =	vadd.s32 v14, v15  }
0xa8: {  	v55 =	vld.idx.msk [tilespmem:v26+s19+$0x0], $0xffff;
	v10 =	vadd.s32 v14, v10;
	v13 =	vadd.f32 v57, v13;
	vm14 =	vgt.s32 v17, v22  }
0xa9: {  	v19 =	vperm.xlane v54, v8;
	v17 =	vsel vm14, v17, v22;
	v18 =	vadd.s32 v53, v14  }
0xaa: {  	v24 =	vld.idx.msk [tilespmem:v24+s14+$0x0], $0xffff;
	vm13 =	vgt.s32 v16, v23;
	vm4 =	vlt.s32 v18, $0x3FFF;
	v56 =	vadd.s32 $0xFFFFC000, v18  }
0xab: {  	v25 =	vld.idx.msk [tilespmem:v25+s17+$0x0], $0xffff;
	v16 =	vsel vm13, v16, v23;
	v58 =	vnsel vm4, $0x3FFF, v18;
	vm4 =	vgt.s32 v56, $0x0  }
0xac: {  	vm15 =	vgt.s32 v30, v17;
	v14 =	vnsel vm4, $0x0, v56;
	vm4 =	vgt.s32 v31, v16;
	v15 =	vld.idx.msk [tilespmem:v15+s18+$0x0], $0xffff  }
0xad: {  	v11 =	vld.idx.msk [tilespmem:v11+s20+$0x0], $0xffff;
	v20 =	vmul.f32 v51, v55;
	v17 =	vsel vm15, v30, v17;
	v16 =	vsel vm4, v31, v16  }
0xae: {  	v9 =	vperm.xlane v9, v8;
	v59 =	vperm.xlane v12, v1;
	v10 =	vld.idx.msk [tilespmem:v10+s19+$0x0], $0xffff;
	v16 =	vsel vm6, v16, v17  }
0xaf: {  	v62 =	vld.idx.msk [tilespmem:v19+s21+$0x0], $0xffff;
	v13 =	vadd.f32 v13, v20;
	v16 =	vcvt.s32.f32 v16  }
0xb0: {  	v61 =	vsel vm5, v24, v25;
	v9 =	vsel vm3, v9, v59;
	v60 =	vld.idx.msk [tilespmem:v58+s14+$0x0], $0xffff  }
0xb1: {  	v13 =	vadd.f32 v13, v61;
	vm4 =	veq.s32 v12, v9;
	v14 =	vld.idx.msk [tilespmem:v14+s17+$0x0], $0xffff;
	v9 =	vmul.f32 v16, v15  }
0xb2: {  	v63 =	vsel vm4, $0x0, v6  }
0xb3: {  	v10 =	vmul.f32 v63, v10;
	v9 =	vadd.f32 v9, v13;
	_ =	sdelay $0x1  }
0xb4: {  	vm4 =	vlt.s32 v18, $0x4000;
	v9 =	vadd.f32 v9, v10  }
0xb5: {  	v11 =	vadd.f32 v62, v11;
	v10 =	vsel vm4, v60, v14  }
0xb6: {  	v9 =	vadd.f32 v9, v10  }
0xb7: {  	v10 =	vnsel vm3, $0x0, v11  }
0xb8: {  	s23 =	sadd.s32 $0x1, s23;
	v9 =	vadd.f32 v10, v9  }
0xb9: {  	p0 =	sne.s32 s23, s12  }
.Ltmp2:
0xba: {  	[tilespmem:$0xA500] =	vst v9;
	(pc) =	sbr.rel @p0 .LBB2_2-.Ltmp2, $4  }
0xbb: {  	[hbm4b:s10+s4] =	stream.linear.scatter [tilespmem:s22], [sflag:$0x1], $0x80, $0x38;
	[tilespmem:$0xA580] =	vst v63  }
0xbc: {  	_ =	swait.ge [sflag:s15], $0x80  }
0xbd: {  	[sflag:s15] =	ssyncset.done $0x0  }
0xbe: {  	[sflag:s15] =	ssyncadd.s32 $0xFFFFFF80  }
.LBB2_5:
0xbf: {  	_ =	sfence.sel $0x180000  }
0xc0: {  	[bflag:$0x0] =	sbarrier.arrive $0xFFFF  }
0xc1: {  	p0 =	sne.s32 s1, $0x0;
	_ =	strace $0x90000047  }
0xc2: {  	s0 =	sadd.s32 @!p0 $0x100000, s0;
	[bflag:$0x2] =	sbarrier.arrive $0xFFFF  }
0xc3: {  	[sflag:s0] =	ssyncadd.tile.s32 @!p0 $0x1;
	_ =	shalt  }
.Lfunc_end2:
_tile_overlayer_lowered:
.L_overlay_start_2:
0xc4: {  	(tag) =	ssettag $0x2  }
0xc5: {  	s0 =	rddreg [dreg:$0x0];
	s2 =	stileid.u32  }
0xc6: {  	s1 =	rddreg [dreg:$0x1];
	p0 =	sne.s32 s2, $0x0  }
0xc7: {  	s3 =	rddreg [dreg:$0x2];
	[bflag:$0x3] =	sbarrier.arrive $0xFFFF;
	s2 =	simm.s32 @!p0 $0x1C01  }
0xc8: {  	[timem:s3], [sflag:s2] =	dma.local @!p0 [hbm:s0], s1  }
0xc9: {  	s0 =	simm.s32 @!p0 $0x1  }
0xca: {  	_ =	swait.ge @!p0 [sflag:s0], s1  }
0xcb: {  	s1 =	ssub.s32 @!p0 $0x0, s1;
	[sflag:s0] =	ssyncset.done @!p0 $0x0  }
0xcc: {  	[sflag:s0] =	ssyncadd.s32 @!p0 s1  }
0xcd: {  	[bflag:$0x3] =	sbarrier.arrive $0xFFFF  }
0xce: {  	_ =	shalt  }

</sc_bundles>
